<compile_context>
chip_gen: v7x
topology: tpu7x:2x2x1
jax: 0.10.2.dev20260603
libtpu: 0.0.44.dev20260713+nightly
codegen_flags: <defaults>
</compile_context>

<pallas_src>
import functools

import jax
import jax.numpy as jnp
from jax import lax
from jax.experimental import pallas as pl
from jax.experimental.pallas import tpu as pltpu
from jax.experimental.pallas import tpu_sc as plsc

_B = 128
_N = 8192
_NW = 32
_TOTAL = _B * _N
_ROWS_PER_T = _B // _NW
_O_PER_T = _TOTAL // _NW
_GROUPS_PER_ROW = _N // 64

_mesh = plsc.VectorSubcoreMesh(core_axis_name="c", subcore_axis_name="s")


@functools.partial(
    pl.kernel,
    mesh=_mesh,
    out_type=jax.ShapeDtypeStruct((_B, _N), jnp.float32),
    scratch_types=[
        pltpu.VMEM((_O_PER_T,), jnp.uint8),
        pltpu.VMEM((_O_PER_T,), jnp.float32),
        pltpu.SemaphoreType.DMA,
        pltpu.SemaphoreType.DMA,
    ],
    compiler_params=pltpu.CompilerParams(
        needs_layout_passes=False, allow_input_fusion=[True]
    ),
)
def _masked_fill(mask_hbm, out_hbm, m_v, o_v, sem_in, sem_out):
    wid = lax.axis_index("s") * 2 + lax.axis_index("c")

    in_handles = [
        pltpu.async_copy(
            mask_hbm.at[pl.ds(wid * _O_PER_T + r * _N, _N)],
            m_v.at[pl.ds(r * _N, _N)],
            sem_in,
        )
        for r in range(_ROWS_PER_T)
    ]

    iota4 = lax.iota(jnp.int32, 16) * 4
    neg_inf_bits = jnp.uint32(0xFF800000)

    out_handles = []
    for r in range(_ROWS_PER_T):
        in_handles[r].wait()

        def body(g, carry, _r=r):
            base = _r * _N + g * 64
            w = plsc.bitcast(m_v[pl.ds(base, 64)], jnp.uint32)
            for k in range(4):
                byte = (w >> jnp.uint32(8 * k)) & jnp.uint32(1)
                val = plsc.bitcast(byte * neg_inf_bits, jnp.float32)
                plsc.store_scatter(o_v, [iota4 + (base + k)], val)
            return carry

        lax.fori_loop(0, _GROUPS_PER_ROW, body, 0)
        out_handles.append(
            pltpu.async_copy(
                o_v.at[pl.ds(r * _N, _N)],
                out_hbm.at[wid * _ROWS_PER_T + r],
                sem_out,
            )
        )
    for h in out_handles:
        h.wait()


def kernel(states, masks):
    del states
    mask_bytes = masks.astype(jnp.uint8).reshape(_TOTAL)
    return _masked_fill(mask_bytes)

# --- scband reference (transcript-rebuilt; emitter-appended) ---
"""Pipeline reference for scband-uniform-pb-59983513256604 (READ-ONLY COPY).

The authoritative reference and input builder live on the scoring server;
editing this copy changes nothing except your own understanding.
"""

import jax, jax.numpy as jnp
import numpy as np

N_ACTIONS = 8193

def setup_inputs(seed: int = 0) -> dict:
    key = jax.random.key(seed)
    k1, k2 = jax.random.split(key)
    states = jax.random.normal(k1, (128, 256), dtype=jnp.float32)
    masks = jax.random.randint(k2, (128, N_ACTIONS - 1), 0, 2).astype(bool)
    return {"states": states, "masks": masks}

def reference(states, masks):
    # UniformPB.forward: uniform (zero) logits over n_actions-1 actions,
    # with impossible actions masked to -inf.
    logits = jnp.zeros((states.shape[0], N_ACTIONS - 1), dtype=jnp.float32)
    logits = jnp.where(masks, -jnp.inf, logits)
    return logits

if __name__ == "__main__":
    import jax
    _d = setup_inputs()
    print(jax.jit(kernel)(*tuple(_d.values())))

</pallas_src>

<mosaic_0001>
#map = affine_map<(d0, d1) -> (0)>
#map1 = affine_map<(d0, d1) -> (0, 0)>
module attributes {stable_mosaic.version = 14 : i64} {
  func.func @_masked_fill(%arg0: i32, %arg1: i32, %arg2: memref<1048576xi8, #tpu.memory_space<hbm>>, %arg3: memref<128x8192xf32, #tpu.memory_space<hbm>>, %arg4: memref<32768xi8, #tpu.memory_space<vmem>>, %arg5: memref<32768xf32, #tpu.memory_space<vmem>>, %arg6: memref<!tpu.dma_semaphore, #tpu.memory_space<semaphore_mem>>, %arg7: memref<!tpu.dma_semaphore, #tpu.memory_space<semaphore_mem>>) attributes {dimension_semantics = [#tpu.dimension_semantics<core_parallel>, #tpu.dimension_semantics<subcore_parallel>], iteration_bounds = array<i64: 2, 16>, scalar_prefetch = 0 : i64, scratch_operands = 4 : i64, tpu.core_type = #tpu.core_type<sc_vector_subcore>, window_params = [{transform_indices = #map}, {transform_indices = #map1}]} {
    %mul3A = arith.constant 2 : i32
    %mul3A_0 = arith.muli %arg1, %mul3A : i32
    %add3A = arith.addi %mul3A_0, %arg0 : i32
    %mul3A_1 = arith.constant 32768 : i32
    %mul3A_2 = arith.muli %add3A, %mul3A_1 : i32
    %add3A_3 = arith.constant 0 : i32
    %add3A_4 = arith.addi %mul3A_2, %add3A_3 : i32
    %dma_start3A = arith.constant 0 : i32
    %dma_start3A_5 = tpu.memref_slice %arg4[%dma_start3A] : memref<32768xi8, #tpu.memory_space<vmem>> -> memref<8192xi8, #tpu.memory_space<vmem>>
    %dma_start3A_6 = tpu.memref_slice %arg2[%add3A_4] : memref<1048576xi8, #tpu.memory_space<hbm>> -> memref<8192xi8, #tpu.memory_space<hbm>>
    %dma_start3A_7 = arith.constant 0 : i32
    %dma_start3A_8 = tpu.memref_slice %arg4[%dma_start3A_7] : memref<32768xi8, #tpu.memory_space<vmem>> -> memref<8192xi8, #tpu.memory_space<vmem>>
    %dma_start3A_9 = tpu.memref_slice %arg2[%add3A_4] : memref<1048576xi8, #tpu.memory_space<hbm>> -> memref<8192xi8, #tpu.memory_space<hbm>>
    tpu.enqueue_dma source(%dma_start3A_9 : memref<8192xi8, #tpu.memory_space<hbm>>) target(%dma_start3A_8 : memref<8192xi8, #tpu.memory_space<vmem>>) target_semaphore(%arg6 : memref<!tpu.dma_semaphore, #tpu.memory_space<semaphore_mem>>)
    %mul3A_10 = arith.constant 32768 : i32
    %mul3A_11 = arith.muli %add3A, %mul3A_10 : i32
    %add3A_12 = arith.constant 8192 : i32
    %add3A_13 = arith.addi %mul3A_11, %add3A_12 : i32
    %dma_start3A_14 = arith.constant 8192 : i32
    %dma_start3A_15 = tpu.memref_slice %arg4[%dma_start3A_14] : memref<32768xi8, #tpu.memory_space<vmem>> -> memref<8192xi8, #tpu.memory_space<vmem>>
    %dma_start3A_16 = tpu.memref_slice %arg2[%add3A_13] : memref<1048576xi8, #tpu.memory_space<hbm>> -> memref<8192xi8, #tpu.memory_space<hbm>>
    %dma_start3A_17 = arith.constant 8192 : i32
    %dma_start3A_18 = tpu.memref_slice %arg4[%dma_start3A_17] : memref<32768xi8, #tpu.memory_space<vmem>> -> memref<8192xi8, #tpu.memory_space<vmem>>
    %dma_start3A_19 = tpu.memref_slice %arg2[%add3A_13] : memref<1048576xi8, #tpu.memory_space<hbm>> -> memref<8192xi8, #tpu.memory_space<hbm>>
    tpu.enqueue_dma source(%dma_start3A_19 : memref<8192xi8, #tpu.memory_space<hbm>>) target(%dma_start3A_18 : memref<8192xi8, #tpu.memory_space<vmem>>) target_semaphore(%arg6 : memref<!tpu.dma_semaphore, #tpu.memory_space<semaphore_mem>>)
    %mul3A_20 = arith.constant 32768 : i32
    %mul3A_21 = arith.muli %add3A, %mul3A_20 : i32
    %add3A_22 = arith.constant 16384 : i32
    %add3A_23 = arith.addi %mul3A_21, %add3A_22 : i32
    %dma_start3A_24 = arith.constant 16384 : i32
    %dma_start3A_25 = tpu.memref_slice %arg4[%dma_start3A_24] : memref<32768xi8, #tpu.memory_space<vmem>> -> memref<8192xi8, #tpu.memory_space<vmem>>
    %dma_start3A_26 = tpu.memref_slice %arg2[%add3A_23] : memref<1048576xi8, #tpu.memory_space<hbm>> -> memref<8192xi8, #tpu.memory_space<hbm>>
    %dma_start3A_27 = arith.constant 16384 : i32
    %dma_start3A_28 = tpu.memref_slice %arg4[%dma_start3A_27] : memref<32768xi8, #tpu.memory_space<vmem>> -> memref<8192xi8, #tpu.memory_space<vmem>>
    %dma_start3A_29 = tpu.memref_slice %arg2[%add3A_23] : memref<1048576xi8, #tpu.memory_space<hbm>> -> memref<8192xi8, #tpu.memory_space<hbm>>
    tpu.enqueue_dma source(%dma_start3A_29 : memref<8192xi8, #tpu.memory_space<hbm>>) target(%dma_start3A_28 : memref<8192xi8, #tpu.memory_space<vmem>>) target_semaphore(%arg6 : memref<!tpu.dma_semaphore, #tpu.memory_space<semaphore_mem>>)
    %mul3A_30 = arith.constant 32768 : i32
    %mul3A_31 = arith.muli %add3A, %mul3A_30 : i32
    %add3A_32 = arith.constant 24576 : i32
    %add3A_33 = arith.addi %mul3A_31, %add3A_32 : i32
    %dma_start3A_34 = arith.constant 24576 : i32
    %dma_start3A_35 = tpu.memref_slice %arg4[%dma_start3A_34] : memref<32768xi8, #tpu.memory_space<vmem>> -> memref<8192xi8, #tpu.memory_space<vmem>>
    %dma_start3A_36 = tpu.memref_slice %arg2[%add3A_33] : memref<1048576xi8, #tpu.memory_space<hbm>> -> memref<8192xi8, #tpu.memory_space<hbm>>
    %dma_start3A_37 = arith.constant 24576 : i32
    %dma_start3A_38 = tpu.memref_slice %arg4[%dma_start3A_37] : memref<32768xi8, #tpu.memory_space<vmem>> -> memref<8192xi8, #tpu.memory_space<vmem>>
    %dma_start3A_39 = tpu.memref_slice %arg2[%add3A_33] : memref<1048576xi8, #tpu.memory_space<hbm>> -> memref<8192xi8, #tpu.memory_space<hbm>>
    tpu.enqueue_dma source(%dma_start3A_39 : memref<8192xi8, #tpu.memory_space<hbm>>) target(%dma_start3A_38 : memref<8192xi8, #tpu.memory_space<vmem>>) target_semaphore(%arg6 : memref<!tpu.dma_semaphore, #tpu.memory_space<semaphore_mem>>)
    %iota3A = tpu.iota {dimensions = array<i32: 0>} : vector<16xi32>
    %mul3A_40 = arith.constant 4 : i32
    %mul3A_41 = vector.broadcast %mul3A_40 : i32 to vector<16xi32>
    %mul3A_42 = arith.muli %iota3A, %mul3A_41 : vector<16xi32>
    %dma_wait3A = arith.constant 0 : i32
    %dma_wait3A_43 = tpu.memref_slice %arg4[%dma_wait3A] : memref<32768xi8, #tpu.memory_space<vmem>> -> memref<8192xi8, #tpu.memory_space<vmem>>
    %dma_wait3A_44 = tpu.memref_slice %arg2[%add3A_4] : memref<1048576xi8, #tpu.memory_space<hbm>> -> memref<8192xi8, #tpu.memory_space<hbm>>
    %dma_wait3A_45 = arith.constant 0 : i32
    %dma_wait3A_46 = tpu.memref_slice %arg4[%dma_wait3A_45] : memref<32768xi8, #tpu.memory_space<vmem>> -> memref<8192xi8, #tpu.memory_space<vmem>>
    %dma_wait3A_47 = tpu.memref_slice %arg2[%add3A_4] : memref<1048576xi8, #tpu.memory_space<hbm>> -> memref<8192xi8, #tpu.memory_space<hbm>>
    tpu.wait_dma2 semaphore(%arg6 : memref<!tpu.dma_semaphore, #tpu.memory_space<semaphore_mem>>) src(%dma_wait3A_47 : memref<8192xi8, #tpu.memory_space<hbm>>) dst(%dma_wait3A_46 : memref<8192xi8, #tpu.memory_space<vmem>>)
    %scan3A = arith.constant 0 : i32
    %scan3A_48 = arith.constant -8388608 : i32
    %scan3A_49 = arith.constant 0 : i32
    %scan3A_50 = arith.constant 128 : i32
    %scan3A_51 = arith.addi %scan3A_49, %scan3A_50 : i32
    %scan3A_52 = arith.constant 1 : i32
    scf.for %scan3A_189 = %scan3A_49 to %scan3A_51 step %scan3A_52  : i32 {
      %mul3A_190 = arith.constant 64 : i32
      %mul3A_191 = arith.muli %scan3A_189, %mul3A_190 : i32
      %add3A_192 = arith.constant 0 : i32
      %add3A_193 = arith.addi %add3A_192, %mul3A_191 : i32
      %get3A = arith.index_cast %add3A_193 : i32 to index
      %get3A_194 = tpu.vector_load %arg4[%get3A] {strides = array<i32>} : memref<32768xi8, #tpu.memory_space<vmem>>, vector<64xi8>,
      %bitcast3A = vector.bitcast %get3A_194 : vector<64xi8> to vector<16xi32>
      %shift_right_logical3A = arith.constant 0 : i32
      %shift_right_logical3A_195 = vector.broadcast %shift_right_logical3A : i32 to vector<16xi32>
      %shift_right_logical3A_196 = arith.shrui %bitcast3A, %shift_right_logical3A_195 : vector<16xi32>
      %and3A = arith.constant 1 : i32
      %and3A_197 = vector.broadcast %and3A : i32 to vector<16xi32>
      %and3A_198 = arith.andi %shift_right_logical3A_196, %and3A_197 : vector<16xi32>
      %mul3A_199 = vector.broadcast %scan3A_48 : i32 to vector<16xi32>
      %mul3A_200 = arith.muli %and3A_198, %mul3A_199 : vector<16xi32>
      %bitcast3A_201 = vector.bitcast %mul3A_200 : vector<16xi32> to vector<16xf32>
      %add3A_202 = arith.constant 0 : i32
      %add3A_203 = arith.addi %add3A_193, %add3A_202 : i32
      %add3A_204 = vector.broadcast %add3A_203 : i32 to vector<16xi32>
      %add3A_205 = arith.addi %mul3A_42, %add3A_204 : vector<16xi32>
      tpu.vector_store_idx %arg5[%add3A_205], %bitcast3A_201 : memref<32768xf32, #tpu.memory_space<vmem>>[vector<16xi32>], vector<16xf32>,
      %shift_right_logical3A_206 = arith.constant 8 : i32
      %shift_right_logical3A_207 = vector.broadcast %shift_right_logical3A_206 : i32 to vector<16xi32>
      %shift_right_logical3A_208 = arith.shrui %bitcast3A, %shift_right_logical3A_207 : vector<16xi32>
      %and3A_209 = arith.constant 1 : i32
      %and3A_210 = vector.broadcast %and3A_209 : i32 to vector<16xi32>
      %and3A_211 = arith.andi %shift_right_logical3A_208, %and3A_210 : vector<16xi32>
      %mul3A_212 = vector.broadcast %scan3A_48 : i32 to vector<16xi32>
      %mul3A_213 = arith.muli %and3A_211, %mul3A_212 : vector<16xi32>
      %bitcast3A_214 = vector.bitcast %mul3A_213 : vector<16xi32> to vector<16xf32>
      %add3A_215 = arith.constant 1 : i32
      %add3A_216 = arith.addi %add3A_193, %add3A_215 : i32
      %add3A_217 = vector.broadcast %add3A_216 : i32 to vector<16xi32>
      %add3A_218 = arith.addi %mul3A_42, %add3A_217 : vector<16xi32>
      tpu.vector_store_idx %arg5[%add3A_218], %bitcast3A_214 : memref<32768xf32, #tpu.memory_space<vmem>>[vector<16xi32>], vector<16xf32>,
      %shift_right_logical3A_219 = arith.constant 16 : i32
      %shift_right_logical3A_220 = vector.broadcast %shift_right_logical3A_219 : i32 to vector<16xi32>
      %shift_right_logical3A_221 = arith.shrui %bitcast3A, %shift_right_logical3A_220 : vector<16xi32>
      %and3A_222 = arith.constant 1 : i32
      %and3A_223 = vector.broadcast %and3A_222 : i32 to vector<16xi32>
      %and3A_224 = arith.andi %shift_right_logical3A_221, %and3A_223 : vector<16xi32>
      %mul3A_225 = vector.broadcast %scan3A_48 : i32 to vector<16xi32>
      %mul3A_226 = arith.muli %and3A_224, %mul3A_225 : vector<16xi32>
      %bitcast3A_227 = vector.bitcast %mul3A_226 : vector<16xi32> to vector<16xf32>
      %add3A_228 = arith.constant 2 : i32
      %add3A_229 = arith.addi %add3A_193, %add3A_228 : i32
      %add3A_230 = vector.broadcast %add3A_229 : i32 to vector<16xi32>
      %add3A_231 = arith.addi %mul3A_42, %add3A_230 : vector<16xi32>
      tpu.vector_store_idx %arg5[%add3A_231], %bitcast3A_227 : memref<32768xf32, #tpu.memory_space<vmem>>[vector<16xi32>], vector<16xf32>,
      %shift_right_logical3A_232 = arith.constant 24 : i32
      %shift_right_logical3A_233 = vector.broadcast %shift_right_logical3A_232 : i32 to vector<16xi32>
      %shift_right_logical3A_234 = arith.shrui %bitcast3A, %shift_right_logical3A_233 : vector<16xi32>
      %and3A_235 = arith.constant 1 : i32
      %and3A_236 = vector.broadcast %and3A_235 : i32 to vector<16xi32>
      %and3A_237 = arith.andi %shift_right_logical3A_234, %and3A_236 : vector<16xi32>
      %mul3A_238 = vector.broadcast %scan3A_48 : i32 to vector<16xi32>
      %mul3A_239 = arith.muli %and3A_237, %mul3A_238 : vector<16xi32>
      %bitcast3A_240 = vector.bitcast %mul3A_239 : vector<16xi32> to vector<16xf32>
      %add3A_241 = arith.constant 3 : i32
      %add3A_242 = arith.addi %add3A_193, %add3A_241 : i32
      %add3A_243 = vector.broadcast %add3A_242 : i32 to vector<16xi32>
      %add3A_244 = arith.addi %mul3A_42, %add3A_243 : vector<16xi32>
      tpu.vector_store_idx %arg5[%add3A_244], %bitcast3A_240 : memref<32768xf32, #tpu.memory_space<vmem>>[vector<16xi32>], vector<16xf32>,
    }
    %scan3A_53 = arith.constant 128 : i32
    %mul3A_54 = arith.constant 4 : i32
    %mul3A_55 = arith.muli %add3A, %mul3A_54 : i32
    %add3A_56 = arith.constant 0 : i32
    %add3A_57 = arith.addi %mul3A_55, %add3A_56 : i32
    %dma_start3A_58 = arith.constant 0 : i32
    %dma_start3A_59 = tpu.memref_slice %arg5[%dma_start3A_58] : memref<32768xf32, #tpu.memory_space<vmem>> -> memref<8192xf32, #tpu.memory_space<vmem>>
    %dma_start3A_60 = arith.constant 0 : i32
    %dma_start3A_61 = tpu.memref_slice %arg3[%add3A_57, %dma_start3A_60] : memref<128x8192xf32, #tpu.memory_space<hbm>> -> memref<1x8192xf32, #tpu.memory_space<hbm>>
    %dma_start3A_62 = tpu.memref_squeeze %dma_start3A_61 : memref<1x8192xf32, #tpu.memory_space<hbm>> -> memref<8192xf32, #tpu.memory_space<hbm>>
    %dma_start3A_63 = arith.constant 0 : i32
    %dma_start3A_64 = tpu.memref_slice %arg3[%add3A_57, %dma_start3A_63] : memref<128x8192xf32, #tpu.memory_space<hbm>> -> memref<1x8192xf32, #tpu.memory_space<hbm>>
    %dma_start3A_65 = tpu.memref_squeeze %dma_start3A_64 : memref<1x8192xf32, #tpu.memory_space<hbm>> -> memref<8192xf32, #tpu.memory_space<hbm>>
    %dma_start3A_66 = arith.constant 0 : i32
    %dma_start3A_67 = tpu.memref_slice %arg5[%dma_start3A_66] : memref<32768xf32, #tpu.memory_space<vmem>> -> memref<8192xf32, #tpu.memory_space<vmem>>
    tpu.enqueue_dma source(%dma_start3A_67 : memref<8192xf32, #tpu.memory_space<vmem>>) target(%dma_start3A_65 : memref<8192xf32, #tpu.memory_space<hbm>>) target_semaphore(%arg7 : memref<!tpu.dma_semaphore, #tpu.memory_space<semaphore_mem>>)
    %dma_wait3A_68 = arith.constant 8192 : i32
    %dma_wait3A_69 = tpu.memref_slice %arg4[%dma_wait3A_68] : memref<32768xi8, #tpu.memory_space<vmem>> -> memref<8192xi8, #tpu.memory_space<vmem>>
    %dma_wait3A_70 = tpu.memref_slice %arg2[%add3A_13] : memref<1048576xi8, #tpu.memory_space<hbm>> -> memref<8192xi8, #tpu.memory_space<hbm>>
    %dma_wait3A_71 = arith.constant 8192 : i32
    %dma_wait3A_72 = tpu.memref_slice %arg4[%dma_wait3A_71] : memref<32768xi8, #tpu.memory_space<vmem>> -> memref<8192xi8, #tpu.memory_space<vmem>>
    %dma_wait3A_73 = tpu.memref_slice %arg2[%add3A_13] : memref<1048576xi8, #tpu.memory_space<hbm>> -> memref<8192xi8, #tpu.memory_space<hbm>>
    tpu.wait_dma2 semaphore(%arg6 : memref<!tpu.dma_semaphore, #tpu.memory_space<semaphore_mem>>) src(%dma_wait3A_73 : memref<8192xi8, #tpu.memory_space<hbm>>) dst(%dma_wait3A_72 : memref<8192xi8, #tpu.memory_space<vmem>>)
    %scan3A_74 = arith.constant 0 : i32
    %scan3A_75 = arith.constant -8388608 : i32
    %scan3A_76 = arith.constant 0 : i32
    %scan3A_77 = arith.constant 128 : i32
    %scan3A_78 = arith.addi %scan3A_76, %scan3A_77 : i32
    %scan3A_79 = arith.constant 1 : i32
    scf.for %scan3A_189 = %scan3A_76 to %scan3A_78 step %scan3A_79  : i32 {
      %mul3A_190 = arith.constant 64 : i32
      %mul3A_191 = arith.muli %scan3A_189, %mul3A_190 : i32
      %add3A_192 = arith.constant 8192 : i32
      %add3A_193 = arith.addi %add3A_192, %mul3A_191 : i32
      %get3A = arith.index_cast %add3A_193 : i32 to index
      %get3A_194 = tpu.vector_load %arg4[%get3A] {strides = array<i32>} : memref<32768xi8, #tpu.memory_space<vmem>>, vector<64xi8>,
      %bitcast3A = vector.bitcast %get3A_194 : vector<64xi8> to vector<16xi32>
      %shift_right_logical3A = arith.constant 0 : i32
      %shift_right_logical3A_195 = vector.broadcast %shift_right_logical3A : i32 to vector<16xi32>
      %shift_right_logical3A_196 = arith.shrui %bitcast3A, %shift_right_logical3A_195 : vector<16xi32>
      %and3A = arith.constant 1 : i32
      %and3A_197 = vector.broadcast %and3A : i32 to vector<16xi32>
      %and3A_198 = arith.andi %shift_right_logical3A_196, %and3A_197 : vector<16xi32>
      %mul3A_199 = vector.broadcast %scan3A_75 : i32 to vector<16xi32>
      %mul3A_200 = arith.muli %and3A_198, %mul3A_199 : vector<16xi32>
      %bitcast3A_201 = vector.bitcast %mul3A_200 : vector<16xi32> to vector<16xf32>
      %add3A_202 = arith.constant 0 : i32
      %add3A_203 = arith.addi %add3A_193, %add3A_202 : i32
      %add3A_204 = vector.broadcast %add3A_203 : i32 to vector<16xi32>
      %add3A_205 = arith.addi %mul3A_42, %add3A_204 : vector<16xi32>
      tpu.vector_store_idx %arg5[%add3A_205], %bitcast3A_201 : memref<32768xf32, #tpu.memory_space<vmem>>[vector<16xi32>], vector<16xf32>,
      %shift_right_logical3A_206 = arith.constant 8 : i32
      %shift_right_logical3A_207 = vector.broadcast %shift_right_logical3A_206 : i32 to vector<16xi32>
      %shift_right_logical3A_208 = arith.shrui %bitcast3A, %shift_right_logical3A_207 : vector<16xi32>
      %and3A_209 = arith.constant 1 : i32
      %and3A_210 = vector.broadcast %and3A_209 : i32 to vector<16xi32>
      %and3A_211 = arith.andi %shift_right_logical3A_208, %and3A_210 : vector<16xi32>
      %mul3A_212 = vector.broadcast %scan3A_75 : i32 to vector<16xi32>
      %mul3A_213 = arith.muli %and3A_211, %mul3A_212 : vector<16xi32>
      %bitcast3A_214 = vector.bitcast %mul3A_213 : vector<16xi32> to vector<16xf32>
      %add3A_215 = arith.constant 1 : i32
      %add3A_216 = arith.addi %add3A_193, %add3A_215 : i32
      %add3A_217 = vector.broadcast %add3A_216 : i32 to vector<16xi32>
      %add3A_218 = arith.addi %mul3A_42, %add3A_217 : vector<16xi32>
      tpu.vector_store_idx %arg5[%add3A_218], %bitcast3A_214 : memref<32768xf32, #tpu.memory_space<vmem>>[vector<16xi32>], vector<16xf32>,
      %shift_right_logical3A_219 = arith.constant 16 : i32
      %shift_right_logical3A_220 = vector.broadcast %shift_right_logical3A_219 : i32 to vector<16xi32>
      %shift_right_logical3A_221 = arith.shrui %bitcast3A, %shift_right_logical3A_220 : vector<16xi32>
      %and3A_222 = arith.constant 1 : i32
      %and3A_223 = vector.broadcast %and3A_222 : i32 to vector<16xi32>
      %and3A_224 = arith.andi %shift_right_logical3A_221, %and3A_223 : vector<16xi32>
      %mul3A_225 = vector.broadcast %scan3A_75 : i32 to vector<16xi32>
      %mul3A_226 = arith.muli %and3A_224, %mul3A_225 : vector<16xi32>
      %bitcast3A_227 = vector.bitcast %mul3A_226 : vector<16xi32> to vector<16xf32>
      %add3A_228 = arith.constant 2 : i32
      %add3A_229 = arith.addi %add3A_193, %add3A_228 : i32
      %add3A_230 = vector.broadcast %add3A_229 : i32 to vector<16xi32>
      %add3A_231 = arith.addi %mul3A_42, %add3A_230 : vector<16xi32>
      tpu.vector_store_idx %arg5[%add3A_231], %bitcast3A_227 : memref<32768xf32, #tpu.memory_space<vmem>>[vector<16xi32>], vector<16xf32>,
      %shift_right_logical3A_232 = arith.constant 24 : i32
      %shift_right_logical3A_233 = vector.broadcast %shift_right_logical3A_232 : i32 to vector<16xi32>
      %shift_right_logical3A_234 = arith.shrui %bitcast3A, %shift_right_logical3A_233 : vector<16xi32>
      %and3A_235 = arith.constant 1 : i32
      %and3A_236 = vector.broadcast %and3A_235 : i32 to vector<16xi32>
      %and3A_237 = arith.andi %shift_right_logical3A_234, %and3A_236 : vector<16xi32>
      %mul3A_238 = vector.broadcast %scan3A_75 : i32 to vector<16xi32>
      %mul3A_239 = arith.muli %and3A_237, %mul3A_238 : vector<16xi32>
      %bitcast3A_240 = vector.bitcast %mul3A_239 : vector<16xi32> to vector<16xf32>
      %add3A_241 = arith.constant 3 : i32
      %add3A_242 = arith.addi %add3A_193, %add3A_241 : i32
      %add3A_243 = vector.broadcast %add3A_242 : i32 to vector<16xi32>
      %add3A_244 = arith.addi %mul3A_42, %add3A_243 : vector<16xi32>
      tpu.vector_store_idx %arg5[%add3A_244], %bitcast3A_240 : memref<32768xf32, #tpu.memory_space<vmem>>[vector<16xi32>], vector<16xf32>,
    }
    %scan3A_80 = arith.constant 128 : i32
    %mul3A_81 = arith.constant 4 : i32
    %mul3A_82 = arith.muli %add3A, %mul3A_81 : i32
    %add3A_83 = arith.constant 1 : i32
    %add3A_84 = arith.addi %mul3A_82, %add3A_83 : i32
    %dma_start3A_85 = arith.constant 8192 : i32
    %dma_start3A_86 = tpu.memref_slice %arg5[%dma_start3A_85] : memref<32768xf32, #tpu.memory_space<vmem>> -> memref<8192xf32, #tpu.memory_space<vmem>>
    %dma_start3A_87 = arith.constant 0 : i32
    %dma_start3A_88 = tpu.memref_slice %arg3[%add3A_84, %dma_start3A_87] : memref<128x8192xf32, #tpu.memory_space<hbm>> -> memref<1x8192xf32, #tpu.memory_space<hbm>>
    %dma_start3A_89 = tpu.memref_squeeze %dma_start3A_88 : memref<1x8192xf32, #tpu.memory_space<hbm>> -> memref<8192xf32, #tpu.memory_space<hbm>>
    %dma_start3A_90 = arith.constant 0 : i32
    %dma_start3A_91 = tpu.memref_slice %arg3[%add3A_84, %dma_start3A_90] : memref<128x8192xf32, #tpu.memory_space<hbm>> -> memref<1x8192xf32, #tpu.memory_space<hbm>>
    %dma_start3A_92 = tpu.memref_squeeze %dma_start3A_91 : memref<1x8192xf32, #tpu.memory_space<hbm>> -> memref<8192xf32, #tpu.memory_space<hbm>>
    %dma_start3A_93 = arith.constant 8192 : i32
    %dma_start3A_94 = tpu.memref_slice %arg5[%dma_start3A_93] : memref<32768xf32, #tpu.memory_space<vmem>> -> memref<8192xf32, #tpu.memory_space<vmem>>
    tpu.enqueue_dma source(%dma_start3A_94 : memref<8192xf32, #tpu.memory_space<vmem>>) target(%dma_start3A_92 : memref<8192xf32, #tpu.memory_space<hbm>>) target_semaphore(%arg7 : memref<!tpu.dma_semaphore, #tpu.memory_space<semaphore_mem>>)
    %dma_wait3A_95 = arith.constant 16384 : i32
    %dma_wait3A_96 = tpu.memref_slice %arg4[%dma_wait3A_95] : memref<32768xi8, #tpu.memory_space<vmem>> -> memref<8192xi8, #tpu.memory_space<vmem>>
    %dma_wait3A_97 = tpu.memref_slice %arg2[%add3A_23] : memref<1048576xi8, #tpu.memory_space<hbm>> -> memref<8192xi8, #tpu.memory_space<hbm>>
    %dma_wait3A_98 = arith.constant 16384 : i32
    %dma_wait3A_99 = tpu.memref_slice %arg4[%dma_wait3A_98] : memref<32768xi8, #tpu.memory_space<vmem>> -> memref<8192xi8, #tpu.memory_space<vmem>>
    %dma_wait3A_100 = tpu.memref_slice %arg2[%add3A_23] : memref<1048576xi8, #tpu.memory_space<hbm>> -> memref<8192xi8, #tpu.memory_space<hbm>>
    tpu.wait_dma2 semaphore(%arg6 : memref<!tpu.dma_semaphore, #tpu.memory_space<semaphore_mem>>) src(%dma_wait3A_100 : memref<8192xi8, #tpu.memory_space<hbm>>) dst(%dma_wait3A_99 : memref<8192xi8, #tpu.memory_space<vmem>>)
    %scan3A_101 = arith.constant 0 : i32
    %scan3A_102 = arith.constant -8388608 : i32
    %scan3A_103 = arith.constant 0 : i32
    %scan3A_104 = arith.constant 128 : i32
    %scan3A_105 = arith.addi %scan3A_103, %scan3A_104 : i32
    %scan3A_106 = arith.constant 1 : i32
    scf.for %scan3A_189 = %scan3A_103 to %scan3A_105 step %scan3A_106  : i32 {
      %mul3A_190 = arith.constant 64 : i32
      %mul3A_191 = arith.muli %scan3A_189, %mul3A_190 : i32
      %add3A_192 = arith.constant 16384 : i32
      %add3A_193 = arith.addi %add3A_192, %mul3A_191 : i32
      %get3A = arith.index_cast %add3A_193 : i32 to index
      %get3A_194 = tpu.vector_load %arg4[%get3A] {strides = array<i32>} : memref<32768xi8, #tpu.memory_space<vmem>>, vector<64xi8>,
      %bitcast3A = vector.bitcast %get3A_194 : vector<64xi8> to vector<16xi32>
      %shift_right_logical3A = arith.constant 0 : i32
      %shift_right_logical3A_195 = vector.broadcast %shift_right_logical3A : i32 to vector<16xi32>
      %shift_right_logical3A_196 = arith.shrui %bitcast3A, %shift_right_logical3A_195 : vector<16xi32>
      %and3A = arith.constant 1 : i32
      %and3A_197 = vector.broadcast %and3A : i32 to vector<16xi32>
      %and3A_198 = arith.andi %shift_right_logical3A_196, %and3A_197 : vector<16xi32>
      %mul3A_199 = vector.broadcast %scan3A_102 : i32 to vector<16xi32>
      %mul3A_200 = arith.muli %and3A_198, %mul3A_199 : vector<16xi32>
      %bitcast3A_201 = vector.bitcast %mul3A_200 : vector<16xi32> to vector<16xf32>
      %add3A_202 = arith.constant 0 : i32
      %add3A_203 = arith.addi %add3A_193, %add3A_202 : i32
      %add3A_204 = vector.broadcast %add3A_203 : i32 to vector<16xi32>
      %add3A_205 = arith.addi %mul3A_42, %add3A_204 : vector<16xi32>
      tpu.vector_store_idx %arg5[%add3A_205], %bitcast3A_201 : memref<32768xf32, #tpu.memory_space<vmem>>[vector<16xi32>], vector<16xf32>,
      %shift_right_logical3A_206 = arith.constant 8 : i32
      %shift_right_logical3A_207 = vector.broadcast %shift_right_logical3A_206 : i32 to vector<16xi32>
      %shift_right_logical3A_208 = arith.shrui %bitcast3A, %shift_right_logical3A_207 : vector<16xi32>
      %and3A_209 = arith.constant 1 : i32
      %and3A_210 = vector.broadcast %and3A_209 : i32 to vector<16xi32>
      %and3A_211 = arith.andi %shift_right_logical3A_208, %and3A_210 : vector<16xi32>
      %mul3A_212 = vector.broadcast %scan3A_102 : i32 to vector<16xi32>
      %mul3A_213 = arith.muli %and3A_211, %mul3A_212 : vector<16xi32>
      %bitcast3A_214 = vector.bitcast %mul3A_213 : vector<16xi32> to vector<16xf32>
      %add3A_215 = arith.constant 1 : i32
      %add3A_216 = arith.addi %add3A_193, %add3A_215 : i32
      %add3A_217 = vector.broadcast %add3A_216 : i32 to vector<16xi32>
      %add3A_218 = arith.addi %mul3A_42, %add3A_217 : vector<16xi32>
      tpu.vector_store_idx %arg5[%add3A_218], %bitcast3A_214 : memref<32768xf32, #tpu.memory_space<vmem>>[vector<16xi32>], vector<16xf32>,
      %shift_right_logical3A_219 = arith.constant 16 : i32
      %shift_right_logical3A_220 = vector.broadcast %shift_right_logical3A_219 : i32 to vector<16xi32>
      %shift_right_logical3A_221 = arith.shrui %bitcast3A, %shift_right_logical3A_220 : vector<16xi32>
      %and3A_222 = arith.constant 1 : i32
      %and3A_223 = vector.broadcast %and3A_222 : i32 to vector<16xi32>
      %and3A_224 = arith.andi %shift_right_logical3A_221, %and3A_223 : vector<16xi32>
      %mul3A_225 = vector.broadcast %scan3A_102 : i32 to vector<16xi32>
      %mul3A_226 = arith.muli %and3A_224, %mul3A_225 : vector<16xi32>
      %bitcast3A_227 = vector.bitcast %mul3A_226 : vector<16xi32> to vector<16xf32>
      %add3A_228 = arith.constant 2 : i32
      %add3A_229 = arith.addi %add3A_193, %add3A_228 : i32
      %add3A_230 = vector.broadcast %add3A_229 : i32 to vector<16xi32>
      %add3A_231 = arith.addi %mul3A_42, %add3A_230 : vector<16xi32>
      tpu.vector_store_idx %arg5[%add3A_231], %bitcast3A_227 : memref<32768xf32, #tpu.memory_space<vmem>>[vector<16xi32>], vector<16xf32>,
      %shift_right_logical3A_232 = arith.constant 24 : i32
      %shift_right_logical3A_233 = vector.broadcast %shift_right_logical3A_232 : i32 to vector<16xi32>
      %shift_right_logical3A_234 = arith.shrui %bitcast3A, %shift_right_logical3A_233 : vector<16xi32>
      %and3A_235 = arith.constant 1 : i32
      %and3A_236 = vector.broadcast %and3A_235 : i32 to vector<16xi32>
      %and3A_237 = arith.andi %shift_right_logical3A_234, %and3A_236 : vector<16xi32>
      %mul3A_238 = vector.broadcast %scan3A_102 : i32 to vector<16xi32>
      %mul3A_239 = arith.muli %and3A_237, %mul3A_238 : vector<16xi32>
      %bitcast3A_240 = vector.bitcast %mul3A_239 : vector<16xi32> to vector<16xf32>
      %add3A_241 = arith.constant 3 : i32
      %add3A_242 = arith.addi %add3A_193, %add3A_241 : i32
      %add3A_243 = vector.broadcast %add3A_242 : i32 to vector<16xi32>
      %add3A_244 = arith.addi %mul3A_42, %add3A_243 : vector<16xi32>
      tpu.vector_store_idx %arg5[%add3A_244], %bitcast3A_240 : memref<32768xf32, #tpu.memory_space<vmem>>[vector<16xi32>], vector<16xf32>,
    }
    %scan3A_107 = arith.constant 128 : i32
    %mul3A_108 = arith.constant 4 : i32
    %mul3A_109 = arith.muli %add3A, %mul3A_108 : i32
    %add3A_110 = arith.constant 2 : i32
    %add3A_111 = arith.addi %mul3A_109, %add3A_110 : i32
    %dma_start3A_112 = arith.constant 16384 : i32
    %dma_start3A_113 = tpu.memref_slice %arg5[%dma_start3A_112] : memref<32768xf32, #tpu.memory_space<vmem>> -> memref<8192xf32, #tpu.memory_space<vmem>>
    %dma_start3A_114 = arith.constant 0 : i32
    %dma_start3A_115 = tpu.memref_slice %arg3[%add3A_111, %dma_start3A_114] : memref<128x8192xf32, #tpu.memory_space<hbm>> -> memref<1x8192xf32, #tpu.memory_space<hbm>>
    %dma_start3A_116 = tpu.memref_squeeze %dma_start3A_115 : memref<1x8192xf32, #tpu.memory_space<hbm>> -> memref<8192xf32, #tpu.memory_space<hbm>>
    %dma_start3A_117 = arith.constant 0 : i32
    %dma_start3A_118 = tpu.memref_slice %arg3[%add3A_111, %dma_start3A_117] : memref<128x8192xf32, #tpu.memory_space<hbm>> -> memref<1x8192xf32, #tpu.memory_space<hbm>>
    %dma_start3A_119 = tpu.memref_squeeze %dma_start3A_118 : memref<1x8192xf32, #tpu.memory_space<hbm>> -> memref<8192xf32, #tpu.memory_space<hbm>>
    %dma_start3A_120 = arith.constant 16384 : i32
    %dma_start3A_121 = tpu.memref_slice %arg5[%dma_start3A_120] : memref<32768xf32, #tpu.memory_space<vmem>> -> memref<8192xf32, #tpu.memory_space<vmem>>
    tpu.enqueue_dma source(%dma_start3A_121 : memref<8192xf32, #tpu.memory_space<vmem>>) target(%dma_start3A_119 : memref<8192xf32, #tpu.memory_space<hbm>>) target_semaphore(%arg7 : memref<!tpu.dma_semaphore, #tpu.memory_space<semaphore_mem>>)
    %dma_wait3A_122 = arith.constant 24576 : i32
    %dma_wait3A_123 = tpu.memref_slice %arg4[%dma_wait3A_122] : memref<32768xi8, #tpu.memory_space<vmem>> -> memref<8192xi8, #tpu.memory_space<vmem>>
    %dma_wait3A_124 = tpu.memref_slice %arg2[%add3A_33] : memref<1048576xi8, #tpu.memory_space<hbm>> -> memref<8192xi8, #tpu.memory_space<hbm>>
    %dma_wait3A_125 = arith.constant 24576 : i32
    %dma_wait3A_126 = tpu.memref_slice %arg4[%dma_wait3A_125] : memref<32768xi8, #tpu.memory_space<vmem>> -> memref<8192xi8, #tpu.memory_space<vmem>>
    %dma_wait3A_127 = tpu.memref_slice %arg2[%add3A_33] : memref<1048576xi8, #tpu.memory_space<hbm>> -> memref<8192xi8, #tpu.memory_space<hbm>>
    tpu.wait_dma2 semaphore(%arg6 : memref<!tpu.dma_semaphore, #tpu.memory_space<semaphore_mem>>) src(%dma_wait3A_127 : memref<8192xi8, #tpu.memory_space<hbm>>) dst(%dma_wait3A_126 : memref<8192xi8, #tpu.memory_space<vmem>>)
    %scan3A_128 = arith.constant 0 : i32
    %scan3A_129 = arith.constant -8388608 : i32
    %scan3A_130 = arith.constant 0 : i32
    %scan3A_131 = arith.constant 128 : i32
    %scan3A_132 = arith.addi %scan3A_130, %scan3A_131 : i32
    %scan3A_133 = arith.constant 1 : i32
    scf.for %scan3A_189 = %scan3A_130 to %scan3A_132 step %scan3A_133  : i32 {
      %mul3A_190 = arith.constant 64 : i32
      %mul3A_191 = arith.muli %scan3A_189, %mul3A_190 : i32
      %add3A_192 = arith.constant 24576 : i32
      %add3A_193 = arith.addi %add3A_192, %mul3A_191 : i32
      %get3A = arith.index_cast %add3A_193 : i32 to index
      %get3A_194 = tpu.vector_load %arg4[%get3A] {strides = array<i32>} : memref<32768xi8, #tpu.memory_space<vmem>>, vector<64xi8>,
      %bitcast3A = vector.bitcast %get3A_194 : vector<64xi8> to vector<16xi32>
      %shift_right_logical3A = arith.constant 0 : i32
      %shift_right_logical3A_195 = vector.broadcast %shift_right_logical3A : i32 to vector<16xi32>
      %shift_right_logical3A_196 = arith.shrui %bitcast3A, %shift_right_logical3A_195 : vector<16xi32>
      %and3A = arith.constant 1 : i32
      %and3A_197 = vector.broadcast %and3A : i32 to vector<16xi32>
      %and3A_198 = arith.andi %shift_right_logical3A_196, %and3A_197 : vector<16xi32>
      %mul3A_199 = vector.broadcast %scan3A_129 : i32 to vector<16xi32>
      %mul3A_200 = arith.muli %and3A_198, %mul3A_199 : vector<16xi32>
      %bitcast3A_201 = vector.bitcast %mul3A_200 : vector<16xi32> to vector<16xf32>
      %add3A_202 = arith.constant 0 : i32
      %add3A_203 = arith.addi %add3A_193, %add3A_202 : i32
      %add3A_204 = vector.broadcast %add3A_203 : i32 to vector<16xi32>
      %add3A_205 = arith.addi %mul3A_42, %add3A_204 : vector<16xi32>
      tpu.vector_store_idx %arg5[%add3A_205], %bitcast3A_201 : memref<32768xf32, #tpu.memory_space<vmem>>[vector<16xi32>], vector<16xf32>,
      %shift_right_logical3A_206 = arith.constant 8 : i32
      %shift_right_logical3A_207 = vector.broadcast %shift_right_logical3A_206 : i32 to vector<16xi32>
      %shift_right_logical3A_208 = arith.shrui %bitcast3A, %shift_right_logical3A_207 : vector<16xi32>
      %and3A_209 = arith.constant 1 : i32
      %and3A_210 = vector.broadcast %and3A_209 : i32 to vector<16xi32>
      %and3A_211 = arith.andi %shift_right_logical3A_208, %and3A_210 : vector<16xi32>
      %mul3A_212 = vector.broadcast %scan3A_129 : i32 to vector<16xi32>
      %mul3A_213 = arith.muli %and3A_211, %mul3A_212 : vector<16xi32>
      %bitcast3A_214 = vector.bitcast %mul3A_213 : vector<16xi32> to vector<16xf32>
      %add3A_215 = arith.constant 1 : i32
      %add3A_216 = arith.addi %add3A_193, %add3A_215 : i32
      %add3A_217 = vector.broadcast %add3A_216 : i32 to vector<16xi32>
      %add3A_218 = arith.addi %mul3A_42, %add3A_217 : vector<16xi32>
      tpu.vector_store_idx %arg5[%add3A_218], %bitcast3A_214 : memref<32768xf32, #tpu.memory_space<vmem>>[vector<16xi32>], vector<16xf32>,
      %shift_right_logical3A_219 = arith.constant 16 : i32
      %shift_right_logical3A_220 = vector.broadcast %shift_right_logical3A_219 : i32 to vector<16xi32>
      %shift_right_logical3A_221 = arith.shrui %bitcast3A, %shift_right_logical3A_220 : vector<16xi32>
      %and3A_222 = arith.constant 1 : i32
      %and3A_223 = vector.broadcast %and3A_222 : i32 to vector<16xi32>
      %and3A_224 = arith.andi %shift_right_logical3A_221, %and3A_223 : vector<16xi32>
      %mul3A_225 = vector.broadcast %scan3A_129 : i32 to vector<16xi32>
      %mul3A_226 = arith.muli %and3A_224, %mul3A_225 : vector<16xi32>
      %bitcast3A_227 = vector.bitcast %mul3A_226 : vector<16xi32> to vector<16xf32>
      %add3A_228 = arith.constant 2 : i32
      %add3A_229 = arith.addi %add3A_193, %add3A_228 : i32
      %add3A_230 = vector.broadcast %add3A_229 : i32 to vector<16xi32>
      %add3A_231 = arith.addi %mul3A_42, %add3A_230 : vector<16xi32>
      tpu.vector_store_idx %arg5[%add3A_231], %bitcast3A_227 : memref<32768xf32, #tpu.memory_space<vmem>>[vector<16xi32>], vector<16xf32>,
      %shift_right_logical3A_232 = arith.constant 24 : i32
      %shift_right_logical3A_233 = vector.broadcast %shift_right_logical3A_232 : i32 to vector<16xi32>
      %shift_right_logical3A_234 = arith.shrui %bitcast3A, %shift_right_logical3A_233 : vector<16xi32>
      %and3A_235 = arith.constant 1 : i32
      %and3A_236 = vector.broadcast %and3A_235 : i32 to vector<16xi32>
      %and3A_237 = arith.andi %shift_right_logical3A_234, %and3A_236 : vector<16xi32>
      %mul3A_238 = vector.broadcast %scan3A_129 : i32 to vector<16xi32>
      %mul3A_239 = arith.muli %and3A_237, %mul3A_238 : vector<16xi32>
      %bitcast3A_240 = vector.bitcast %mul3A_239 : vector<16xi32> to vector<16xf32>
      %add3A_241 = arith.constant 3 : i32
      %add3A_242 = arith.addi %add3A_193, %add3A_241 : i32
      %add3A_243 = vector.broadcast %add3A_242 : i32 to vector<16xi32>
      %add3A_244 = arith.addi %mul3A_42, %add3A_243 : vector<16xi32>
      tpu.vector_store_idx %arg5[%add3A_244], %bitcast3A_240 : memref<32768xf32, #tpu.memory_space<vmem>>[vector<16xi32>], vector<16xf32>,
    }
    %scan3A_134 = arith.constant 128 : i32
    %mul3A_135 = arith.constant 4 : i32
    %mul3A_136 = arith.muli %add3A, %mul3A_135 : i32
    %add3A_137 = arith.constant 3 : i32
    %add3A_138 = arith.addi %mul3A_136, %add3A_137 : i32
    %dma_start3A_139 = arith.constant 24576 : i32
    %dma_start3A_140 = tpu.memref_slice %arg5[%dma_start3A_139] : memref<32768xf32, #tpu.memory_space<vmem>> -> memref<8192xf32, #tpu.memory_space<vmem>>
    %dma_start3A_141 = arith.constant 0 : i32
    %dma_start3A_142 = tpu.memref_slice %arg3[%add3A_138, %dma_start3A_141] : memref<128x8192xf32, #tpu.memory_space<hbm>> -> memref<1x8192xf32, #tpu.memory_space<hbm>>
    %dma_start3A_143 = tpu.memref_squeeze %dma_start3A_142 : memref<1x8192xf32, #tpu.memory_space<hbm>> -> memref<8192xf32, #tpu.memory_space<hbm>>
    %dma_start3A_144 = arith.constant 0 : i32
    %dma_start3A_145 = tpu.memref_slice %arg3[%add3A_138, %dma_start3A_144] : memref<128x8192xf32, #tpu.memory_space<hbm>> -> memref<1x8192xf32, #tpu.memory_space<hbm>>
    %dma_start3A_146 = tpu.memref_squeeze %dma_start3A_145 : memref<1x8192xf32, #tpu.memory_space<hbm>> -> memref<8192xf32, #tpu.memory_space<hbm>>
    %dma_start3A_147 = arith.constant 24576 : i32
    %dma_start3A_148 = tpu.memref_slice %arg5[%dma_start3A_147] : memref<32768xf32, #tpu.memory_space<vmem>> -> memref<8192xf32, #tpu.memory_space<vmem>>
    tpu.enqueue_dma source(%dma_start3A_148 : memref<8192xf32, #tpu.memory_space<vmem>>) target(%dma_start3A_146 : memref<8192xf32, #tpu.memory_space<hbm>>) target_semaphore(%arg7 : memref<!tpu.dma_semaphore, #tpu.memory_space<semaphore_mem>>)
    %dma_wait3A_149 = arith.constant 0 : i32
    %dma_wait3A_150 = tpu.memref_slice %arg5[%dma_wait3A_149] : memref<32768xf32, #tpu.memory_space<vmem>> -> memref<8192xf32, #tpu.memory_space<vmem>>
    %dma_wait3A_151 = arith.constant 0 : i32
    %dma_wait3A_152 = tpu.memref_slice %arg3[%add3A_57, %dma_wait3A_151] : memref<128x8192xf32, #tpu.memory_space<hbm>> -> memref<1x8192xf32, #tpu.memory_space<hbm>>
    %dma_wait3A_153 = tpu.memref_squeeze %dma_wait3A_152 : memref<1x8192xf32, #tpu.memory_space<hbm>> -> memref<8192xf32, #tpu.memory_space<hbm>>
    %dma_wait3A_154 = arith.constant 0 : i32
    %dma_wait3A_155 = tpu.memref_slice %arg3[%add3A_57, %dma_wait3A_154] : memref<128x8192xf32, #tpu.memory_space<hbm>> -> memref<1x8192xf32, #tpu.memory_space<hbm>>
    %dma_wait3A_156 = tpu.memref_squeeze %dma_wait3A_155 : memref<1x8192xf32, #tpu.memory_space<hbm>> -> memref<8192xf32, #tpu.memory_space<hbm>>
    %dma_wait3A_157 = arith.constant 0 : i32
    %dma_wait3A_158 = tpu.memref_slice %arg5[%dma_wait3A_157] : memref<32768xf32, #tpu.memory_space<vmem>> -> memref<8192xf32, #tpu.memory_space<vmem>>
    tpu.wait_dma2 semaphore(%arg7 : memref<!tpu.dma_semaphore, #tpu.memory_space<semaphore_mem>>) src(%dma_wait3A_158 : memref<8192xf32, #tpu.memory_space<vmem>>) dst(%dma_wait3A_156 : memref<8192xf32, #tpu.memory_space<hbm>>)
    %dma_wait3A_159 = arith.constant 8192 : i32
    %dma_wait3A_160 = tpu.memref_slice %arg5[%dma_wait3A_159] : memref<32768xf32, #tpu.memory_space<vmem>> -> memref<8192xf32, #tpu.memory_space<vmem>>
    %dma_wait3A_161 = arith.constant 0 : i32
    %dma_wait3A_162 = tpu.memref_slice %arg3[%add3A_84, %dma_wait3A_161] : memref<128x8192xf32, #tpu.memory_space<hbm>> -> memref<1x8192xf32, #tpu.memory_space<hbm>>
    %dma_wait3A_163 = tpu.memref_squeeze %dma_wait3A_162 : memref<1x8192xf32, #tpu.memory_space<hbm>> -> memref<8192xf32, #tpu.memory_space<hbm>>
    %dma_wait3A_164 = arith.constant 0 : i32
    %dma_wait3A_165 = tpu.memref_slice %arg3[%add3A_84, %dma_wait3A_164] : memref<128x8192xf32, #tpu.memory_space<hbm>> -> memref<1x8192xf32, #tpu.memory_space<hbm>>
    %dma_wait3A_166 = tpu.memref_squeeze %dma_wait3A_165 : memref<1x8192xf32, #tpu.memory_space<hbm>> -> memref<8192xf32, #tpu.memory_space<hbm>>
    %dma_wait3A_167 = arith.constant 8192 : i32
    %dma_wait3A_168 = tpu.memref_slice %arg5[%dma_wait3A_167] : memref<32768xf32, #tpu.memory_space<vmem>> -> memref<8192xf32, #tpu.memory_space<vmem>>
    tpu.wait_dma2 semaphore(%arg7 : memref<!tpu.dma_semaphore, #tpu.memory_space<semaphore_mem>>) src(%dma_wait3A_168 : memref<8192xf32, #tpu.memory_space<vmem>>) dst(%dma_wait3A_166 : memref<8192xf32, #tpu.memory_space<hbm>>)
    %dma_wait3A_169 = arith.constant 16384 : i32
    %dma_wait3A_170 = tpu.memref_slice %arg5[%dma_wait3A_169] : memref<32768xf32, #tpu.memory_space<vmem>> -> memref<8192xf32, #tpu.memory_space<vmem>>
    %dma_wait3A_171 = arith.constant 0 : i32
    %dma_wait3A_172 = tpu.memref_slice %arg3[%add3A_111, %dma_wait3A_171] : memref<128x8192xf32, #tpu.memory_space<hbm>> -> memref<1x8192xf32, #tpu.memory_space<hbm>>
    %dma_wait3A_173 = tpu.memref_squeeze %dma_wait3A_172 : memref<1x8192xf32, #tpu.memory_space<hbm>> -> memref<8192xf32, #tpu.memory_space<hbm>>
    %dma_wait3A_174 = arith.constant 0 : i32
    %dma_wait3A_175 = tpu.memref_slice %arg3[%add3A_111, %dma_wait3A_174] : memref<128x8192xf32, #tpu.memory_space<hbm>> -> memref<1x8192xf32, #tpu.memory_space<hbm>>
    %dma_wait3A_176 = tpu.memref_squeeze %dma_wait3A_175 : memref<1x8192xf32, #tpu.memory_space<hbm>> -> memref<8192xf32, #tpu.memory_space<hbm>>
    %dma_wait3A_177 = arith.constant 16384 : i32
    %dma_wait3A_178 = tpu.memref_slice %arg5[%dma_wait3A_177] : memref<32768xf32, #tpu.memory_space<vmem>> -> memref<8192xf32, #tpu.memory_space<vmem>>
    tpu.wait_dma2 semaphore(%arg7 : memref<!tpu.dma_semaphore, #tpu.memory_space<semaphore_mem>>) src(%dma_wait3A_178 : memref<8192xf32, #tpu.memory_space<vmem>>) dst(%dma_wait3A_176 : memref<8192xf32, #tpu.memory_space<hbm>>)
    %dma_wait3A_179 = arith.constant 24576 : i32
    %dma_wait3A_180 = tpu.memref_slice %arg5[%dma_wait3A_179] : memref<32768xf32, #tpu.memory_space<vmem>> -> memref<8192xf32, #tpu.memory_space<vmem>>
    %dma_wait3A_181 = arith.constant 0 : i32
    %dma_wait3A_182 = tpu.memref_slice %arg3[%add3A_138, %dma_wait3A_181] : memref<128x8192xf32, #tpu.memory_space<hbm>> -> memref<1x8192xf32, #tpu.memory_space<hbm>>
    %dma_wait3A_183 = tpu.memref_squeeze %dma_wait3A_182 : memref<1x8192xf32, #tpu.memory_space<hbm>> -> memref<8192xf32, #tpu.memory_space<hbm>>
    %dma_wait3A_184 = arith.constant 0 : i32
    %dma_wait3A_185 = tpu.memref_slice %arg3[%add3A_138, %dma_wait3A_184] : memref<128x8192xf32, #tpu.memory_space<hbm>> -> memref<1x8192xf32, #tpu.memory_space<hbm>>
    %dma_wait3A_186 = tpu.memref_squeeze %dma_wait3A_185 : memref<1x8192xf32, #tpu.memory_space<hbm>> -> memref<8192xf32, #tpu.memory_space<hbm>>
    %dma_wait3A_187 = arith.constant 24576 : i32
    %dma_wait3A_188 = tpu.memref_slice %arg5[%dma_wait3A_187] : memref<32768xf32, #tpu.memory_space<vmem>> -> memref<8192xf32, #tpu.memory_space<vmem>>
    tpu.wait_dma2 semaphore(%arg7 : memref<!tpu.dma_semaphore, #tpu.memory_space<semaphore_mem>>) src(%dma_wait3A_188 : memref<8192xf32, #tpu.memory_space<vmem>>) dst(%dma_wait3A_186 : memref<8192xf32, #tpu.memory_space<hbm>>)
    return
  }
}

</mosaic_0001>

<sc_bundles>
// kernel: kernel.3.cloned.1.call-start
scs
__scs_entry_jumppad:
0x0: {  	(pc) =	sbr.rel $0x88, $3  }
0x1: {  	(tag) =	ssettag $0x0;
	lr =	simm.s32 $0x1  }
0x2: {  	[smem:$0x3FA0] =	sst lr;
	_ =	strace $0xD0000000  }
0x3: {  	_ = 	snop  }
0x4: {  	_ = 	snop  }
0x5: {  	_ = 	snop  }
0x6: {  	_ = 	snop  }
0x7: {  	_ = 	snop  }
__scs_overlays_trampoline_lowered:
0x8: {  	[smem:$0x3FAF] =	sst s0  }
0x9: {  	[smem:$0x3FB0] =	sst s1  }
0xa: {  	[smem:$0x3FB1] =	sst s2  }
0xb: {  	[smem:$0x3FB2] =	sst s3  }
0xc: {  	[smem:$0x3FB3] =	sst s4  }
0xd: {  	[smem:$0x3FB4] =	sst s5  }
0xe: {  	[smem:$0x3FB5] =	sst s6  }
0xf: {  	[smem:$0x3FB6] =	sst s7  }
0x10: {  	[smem:$0x3FB7] =	sst s8  }
0x11: {  	[smem:$0x3FB8] =	sst s9;
	s0 =	simm.s32 @!p0 $0x0  }
0x12: {  	s1 =	sld [smem:$0x3F9E];
	s0 =	simm.s32 @p0 $0x1  }
0x13: {  	[smem:$0x3FB9] =	sst s0;
	s0 =	simm.s32 @!p1 $0x0  }
0x14: {  	s2 =	sld [smem:$0x3F9D];
	s0 =	simm.s32 @p1 $0x1  }
0x15: {  	[smem:$0x3FBA] =	sst s0;
	s0 =	simm.s32 @!p2 $0x0  }
0x16: {  	s3 =	sld [smem:$0x3FDB];
	s0 =	simm.s32 @p2 $0x1  }
0x17: {  	s4 =	simm.s32 $0x1BF5;
	[smem:$0x3FBC] =	sst s0  }
0x18: {  	s0 =	sld [smem:$0x3F9F];
	_ =	swait.ge [sflag:s4], $0x0  }
0x19: {  	s7 =	sld [smem:$0x3FA0]  }
0x1a: {  	s8 =	sadd.s32 $0xFFFFE003, lr  }
0x1b: {  	s9 =	sadd.s32 $0xFFFFFEF7, lr;
	s5 =	simm.s32 $0xFFFFFFFF;
	p2 =	slt.u32 s8, $0xFFFFF086  }
0x1c: {  	p1 =	slt.u32 s9, $0xF7A;
	s5 =	simm.s32 @!p2 $0x0  }
0x1d: {  	s5 =	simm.s32 @p1 $0x1;
	p0 =	seq.s32 s7, s2  }
0x1e: {  	s7 =	smul.u32 @!p0 $0xF7A, s2;
	p2 =	seq.s32 @!p0 s5, $0x0  }
0x1f: {  	s9 =	smul.u32 $0xF7A, s1;
	s8 =	simm.s32 @!p0 $0x1BF5;
	p2 =	por !p2, p0  }
0x20: {  	[sflag:s8] =	ssyncset.s32 @!p0 $0xFFFFF086;
	s6 =	sadd.s32 @!p0 s3, s7;
	s7 =	simm.s32 @!p0 $0x108  }
0x21: {  	s3 =	sadd.s32 s3, s9;
	s6 =	sadd.s32 @!p0 $0x88, s6;
	s7 =	simm.s32 @p2 $0x1082  }
0x22: {  	[simem:s7], [sflag:s8] =	dma.local @!p0 [hbm:s6], $0xF7A  }
0x23: {  	s9 =	sor.u32 $0xD0000000, s2;
	s6 =	simm.s32 $0x108;
	_ =	swait.ge @!p0 [sflag:s8], $0x0  }
0x24: {  	s3 =	sadd.s32 $0x88, s3;
	s6 =	simm.s32 @!p1 $0x1082;
	[sflag:s4] =	ssyncset.s32 $0xFFFFF086  }
0x25: {  	[simem:s6], [sflag:s4] =	dma.local [hbm:s3], $0xF7A  }
0x26: {  	[smem:$0x3FA0] =	sst s1;
	(tag) =	ssettag s2;
	_ =	strace s9  }
0x27: {  	s1 =	sld [smem:$0x3FB0]  }
0x28: {  	s2 =	sld [smem:$0x3FB1]  }
0x29: {  	s4 =	sld [smem:$0x3FB3]  }
0x2a: {  	p0 =	seq.s32 s5, $0x0;
	s5 =	sld [smem:$0x3FB4]  }
0x2b: {  	s6 =	sld [smem:$0x3FB5]  }
0x2c: {  	s7 =	sld [smem:$0x3FB6]  }
0x2d: {  	s3 =	simm.s32 $0x108;
	s8 =	sld [smem:$0x3FB7]  }
0x2e: {  	s3 =	simm.s32 @!p0 $0x1082;
	s9 =	sld [smem:$0x3FB8]  }
0x2f: {  	lr =	sadd.s32 s0, s3;
	s0 =	sld [smem:$0x3FAF]  }
0x30: {  	s3 =	sld [smem:$0x3FB2]  }
0x31: {  	[smem:$0x3FBB] =	sst s10  }
0x32: {  	s10 =	sld [smem:$0x3FB9];
	_ =	sdelay $0x3  }
0x33: {  	p0 =	seq.s32 s10, $0x1;
	s10 =	sld [smem:$0x3FBB];
	_ =	sdelay $0x3  }
0x34: {  	[smem:$0x3FBB] =	sst s10  }
0x35: {  	s10 =	sld [smem:$0x3FBA];
	_ =	sdelay $0x3  }
0x36: {  	p1 =	seq.s32 s10, $0x1;
	s10 =	sld [smem:$0x3FBB];
	_ =	sdelay $0x3  }
0x37: {  	[smem:$0x3FBB] =	sst s10  }
0x38: {  	s10 =	sld [smem:$0x3FBC]  }
0x39: {  	_ = 	snop;
	(pc) =	sbr.ind lr, $3  }
0x3a: {  	_ = 	snop  }
0x3b: {  	_ = 	snop  }
0x3c: {  	p2 =	seq.s32 s10, $0x1;
	s10 =	sld [smem:$0x3FBB]  }
0x3d: {  	_ =	shalt  }
0x3e: {  	_ =	shalt  }
0x3f: {  	_ =	shalt  }
0x40: {  	_ =	shalt  }
0x41: {  	_ =	shalt  }
0x42: {  	_ =	shalt  }
0x43: {  	_ =	shalt  }
0x44: {  	_ =	shalt  }
0x45: {  	_ =	shalt  }
0x46: {  	_ =	shalt  }
0x47: {  	_ =	shalt  }
0x48: {  	_ =	shalt  }
0x49: {  	_ =	shalt  }
0x4a: {  	_ =	shalt  }
0x4b: {  	_ =	shalt  }
0x4c: {  	_ =	shalt  }
0x4d: {  	_ =	shalt  }
0x4e: {  	_ =	shalt  }
0x4f: {  	_ =	shalt  }
0x50: {  	_ =	shalt  }
0x51: {  	_ =	shalt  }
0x52: {  	_ =	shalt  }
0x53: {  	_ =	shalt  }
0x54: {  	_ =	shalt  }
0x55: {  	_ =	shalt  }
0x56: {  	_ =	shalt  }
0x57: {  	_ =	shalt  }
0x58: {  	_ =	shalt  }
0x59: {  	_ =	shalt  }
0x5a: {  	_ =	shalt  }
0x5b: {  	_ =	shalt  }
0x5c: {  	_ =	shalt  }
0x5d: {  	_ =	shalt  }
0x5e: {  	_ =	shalt  }
0x5f: {  	_ =	shalt  }
0x60: {  	_ =	shalt  }
0x61: {  	_ =	shalt  }
0x62: {  	_ =	shalt  }
0x63: {  	_ =	shalt  }
0x64: {  	_ =	shalt  }
0x65: {  	_ =	shalt  }
0x66: {  	_ =	shalt  }
0x67: {  	_ =	shalt  }
0x68: {  	_ =	shalt  }
0x69: {  	_ =	shalt  }
0x6a: {  	_ =	shalt  }
0x6b: {  	_ =	shalt  }
0x6c: {  	_ =	shalt  }
0x6d: {  	_ =	shalt  }
0x6e: {  	_ =	shalt  }
0x6f: {  	_ =	shalt  }
0x70: {  	_ =	shalt  }
0x71: {  	_ =	shalt  }
0x72: {  	_ =	shalt  }
0x73: {  	_ =	shalt  }
0x74: {  	_ =	shalt  }
0x75: {  	_ =	shalt  }
0x76: {  	_ =	shalt  }
0x77: {  	_ =	shalt  }
0x78: {  	_ =	shalt  }
0x79: {  	_ =	shalt  }
0x7a: {  	_ =	shalt  }
0x7b: {  	_ =	shalt  }
0x7c: {  	_ =	shalt  }
0x7d: {  	_ =	shalt  }
0x7e: {  	_ =	shalt  }
0x7f: {  	_ =	shalt  }
0x80: {  	_ =	shalt  }
0x81: {  	_ =	shalt  }
0x82: {  	_ =	shalt  }
0x83: {  	_ =	shalt  }
0x84: {  	_ =	shalt  }
0x85: {  	_ =	shalt  }
0x86: {  	_ =	shalt  }
0x87: {  	_ =	shalt  }
.Lfunc_end0:
.L_simem_size_0:
called_computation_lowered:
.L_overlay_start_0:
0x88: {  	s2 =	sld [smem:$0x3FD9]  }
0x89: {  	s3 =	sld [smem:$0x3FFE];
	_ =	sdelay $0x1  }
0x8a: {  	s1 =	srdreg.scid  }
0x8b: {  	s0 =	sand.u32 $0x1, s1  }
0x8c: {  	s17 =	sshll.u32 s0, $0xA;
	s2 =	sadd.s32 s3, s2  }
0x8d: {  	s2 =	sadd.s32 s2, s17  }
0x8e: {  	[smem:$0x3FC7] =	sst s2  }
0x8f: {  	_ = 	snop  }
0x90: {  	s2 =	sld [smem:$0x3FD0];
	(tm) =	ssettm $0x1  }
0x91: {  	s18 =	sld [smem:$0x3FFB];
	_ =	sdelay $0x3  }
0x92: {  	_ =	strace s18  }
0x93: {  	s3 =	sld [smem:$0x3FFC];
	_ =	sdelay $0x3  }
0x94: {  	_ =	strace s3  }
0x95: {  	s3 =	sld [smem:$0x3FFD];
	_ =	sdelay $0x3  }
0x96: {  	_ =	strace s3  }
0x97: {  	_ =	strace $0x8FFFFFFF  }
0x98: {  	s19 =	sld [smem:$0x3FDB];
	_ =	sdelay $0x1  }
0x99: {  	s4 =	simm.s32 $_scs_section_size  }
0x9a: {  	s5 =	simm.s32 $_size__tile_overlayer_lowered;
	s6 =	simm.s32 $_tile_overlayer_lowered  }
0x9b: {  	s22 =	simm.s32 $0x1BFF;
	s21 =	sshll.u32 s6, $0x1;
	s3 =	sadd.s32 s4, s19  }
0x9c: {  	s7 =	simm.s32 $0x0;
	s20 =	sshll.u32 s5, $0x1;
	s5 =	sadd.s32 s21, s3  }
0x9d: {  	[timem:s7], [sflag:s22] =	dma.local [hbm:s5], s20  }
0x9e: {  	_ =	swait.ge [sflag:s22], s20  }
0x9f: {  	s4 =	ssub.s32 $0x0, s20;
	[sflag:s22] =	ssyncset.done $0x0  }
0xa0: {  	[sflag:s22] =	ssyncadd.s32 s4;
	_ =	sdelay $0x1  }
0xa1: {  	s23 =	simm.s32 $0x1B8B  }
0xa2: {  	_ =	swait.ge [sflag:s23], $0x1  }
0xa3: {  	[sflag:s23] =	ssyncset.done $0x0  }
0xa4: {  	s25 =	simm.s32 $0x1B8E;
	s24 =	sld [smem:$0x3FFE];
	[sflag:s23] =	ssyncadd.s32 $0xFFFFFFFF  }
0xa5: {  	s26 =	simm.s32 $execute0_lowered;
	[smem:$0x3FD2] =	sst s25  }
0xa6: {  	s5 =	sshll.u32 s26, $0x1;
	_ =	strace $0x80000046;
	[dreg:$0x1] =	wrdreg $0xFFFFFFFF  }
0xa7: {  	s28 =	simm.s32 $_size_execute0_lowered;
	s3 =	sadd.s32 s3, s5;
	[dreg:$0x0] =	wrdreg $0x0  }
0xa8: {  	s5 =	sshll.u32 s28, $0x1;
	[dreg:$0x2] =	wrdreg s3  }
0xa9: {  	[dreg:$0x3] =	wrdreg s5  }
0xaa: {  	[dreg:$0x4] =	wrdreg $0xC0  }
0xab: {  	_ =	task [dreg:s7], $0x5FFFF  }
0xac: {  	[dreg:$0x1] =	wrdreg $0xFFFFFFFF  }
0xad: {  	[dreg:$0x0] =	wrdreg $0x60  }
0xae: {  	[dreg:$0x2] =	wrdreg s24  }
0xaf: {  	[dreg:$0x3] =	wrdreg s2  }
0xb0: {  	[dreg:$0x4] =	wrdreg $0x9  }
0xb1: {  	_ =	task.clear_ibuf [dreg:s7], $0x5FFFF;
	_ =	strace $0x90000046  }
0xb2: {  	s29 =	simm.s32 $0x9;
	_ =	strace $0x80000048  }
0xb3: {  	_ =	swait.ge [sflag:s29], $0x1  }
0xb4: {  	[sflag:s29] =	ssyncadd.s32 $0xFFFFFFFF  }
0xb5: {  	_ =	strace $0x90000048  }
0xb6: {  	_ =	sfence  }
0xb7: {  	s30 =	sld [smem:$0x0];
	_ =	sdelay $0x2  }
0xb8: {  	s31 =	sshll.u32 s1, $0xD;
	s1 =	sshrl.u32 s1, $0x2  }
0xb9: {  	s3 =	sand.u32 $0x4000, s31;
	s1 =	sadd.s32 s1, s30  }
0xba: {  	s0 =	sor.u32 s3, s0;
	s1 =	sshll.u32 s1, $0x11  }
0xbb: {  	s0 =	sor.u32 s1, s0  }
0xbc: {  	s0 =	sadd.s32 $0x8F2B, s0  }
0xbd: {  	[sflag:s0] =	ssyncadd.remote.s32 $0x1  }
0xbe: {  	_ =	sfence.sel $0xFFFF  }
0xbf: {  	[dreg:$0x0] =	wrdreg $0xFFFFFFFF;
	(pc) =	sbr.abs _section_cstart, $3  }
0xc0: {  	[dreg:$0x1] =	wrdreg $0xFFFFFFFF  }
0xc1: {  	_ =	task.clear_ibuf [dreg:s7], $0x2FFFF;
	_ =	strace $0x9FFFFFFF  }
0xc2: {  	(tm) =	ssettm $0x7FFFFFFF  }
0xc3: {  	_ =	shalt  }
tec
execute0_lowered:
.L_overlay_start_1:
0x0: {  	(tag) =	ssettag $0x1  }
0x1: {  	s3 =	rddreg [dreg:$0x0]  }
0x2: {  	s6 =	rddreg [dreg:$0x1];
	s2 =	srdreg.scid  }
0x3: {  	s0 =	rddreg [dreg:$0x2];
	s1 =	stileid.u32  }
0x4: {  	s12 =	simm.s32 $0x800;
	s13 =	simm.s32 $0x1000;
	s14 =	simm.s32 $0x1800  }
0x5: {  	s15 =	simm.s32 $0x1;
	s16 =	simm.s32 $0x2000;
	s17 =	simm.s32 $0x80  }
0x6: {  	s18 =	simm.s32 $0x400;
	s19 =	simm.s32 $0x8000;
	s20 =	simm.s32 $0x2  }
0x7: {  	s21 =	simm.s32 $0x0;
	s4 =	sand.u32 $0x1, s2;
	s2 =	simm.s32 $0x0  }
0x8: {  	s5 =	sshll.u32 s1, $0xB;
	s8 =	sshll.u32 s1, $0xD;
	s7 =	sshll.u32 s4, $0xA  }
0x9: {  	[smem:$0x7FF] =	sst s2;
	s30 =	ssub.s32 $0x2, s4;
	s4 =	sshll.u32 s4, $0x6  }
0xa: {  	s5 =	sor.u32 s7, s5;
	_ =	strace $0x80000047;
	s31 =	sshrl.u32 s30, $0x1  }
0xb: {  	s8 =	sor.u32 s4, s8;
	s7 =	sadd.s32 s5, s3;
	s11 =	ssub.s32 s30, s31  }
0xc: {  	s6 =	sadd.s32 s6, s8;
	s3 =	sadd.s32 $0x400, s7;
	s4 =	sadd.s32 $0x500, s7  }
0xd: {  	v1 =	vlaneseq.u32;
	s5 =	sadd.s32 $0x600, s7;
	s7 =	sadd.s32 $0x700, s7;
	s8 =	sadd.s32 $0x10, s6  }
0xe: {  	v0 =	vimm.f32 $0.0e+00;
	v1 =	vmul.u32 $0x4, v1;
	s9 =	sadd.s32 $0x20, s6;
	s10 =	sadd.s32 $0x30, s6;
	s11 =	smax.u32 s11, $0x1  }
.LBB2_1:
0xf: {  	[tilespmem:s2], [sflag:$0x1] =	stream.linear.gather [hbm4b:s3+s2], $0x800, $0x38;
	[tilespmem:$0xA000] =	vst v63  }
0x10: {  	_ = 	snop  }
0x11: {  	[tilespmem:s12], [sflag:$0x1] =	stream.linear.gather [hbm4b:s4+s2], $0x800, $0x38;
	[tilespmem:$0xA000] =	vst v63  }
0x12: {  	_ = 	snop  }
0x13: {  	[tilespmem:s13], [sflag:$0x1] =	stream.linear.gather [hbm4b:s5+s2], $0x800, $0x38;
	[tilespmem:$0xA000] =	vst v63  }
0x14: {  	_ = 	snop  }
0x15: {  	[tilespmem:s14], [sflag:$0x1] =	stream.linear.gather [hbm4b:s7+s2], $0x800, $0x38;
	[tilespmem:$0xA000] =	vst v63  }
0x16: {  	s22 =	sand.u32 $0x1E00, s2;
	s23 =	sand.u32 $0x100, s2;
	_ =	swait.ge [sflag:s15], $0x800  }
0x17: {  	s22 =	sor.u32 s23, s22;
	[sflag:s15] =	ssyncset.done $0x0  }
0x18: {  	s22 =	sshrl.u32 s22, $0x2;
	[sflag:s15] =	ssyncadd.s32 $0xFFFFF800  }
0x19: {  	v3 =	vld [tilespmem:s22+$0x0];
	_ =	sdelay $0x2  }
0x1a: {  	v4 =	vor.u32 s2, v1;
	_ =	sdelay $0x1  }
0x1b: {  	s30 =	simm.s32 $0x1;
	v6 =	vand.u32 $0x1, v3  }
0x1c: {  	s31 =	simm.s32 $0x2;
	v5 =	vor.u32 s30, v1;
	vm0 =	veq.s32 v6, $0x1;
	v6 =	vshll.u32 v3, $0x17  }
0x1d: {  	v2 =	vor.u32 s31, v1;
	v8 =	vsel vm0, $0xFF800000, v0;
	v6 =	vshra.s32 v6, $0x8  }
0x1e: {  	s24 =	simm.s32 $0x3;
	v7 =	vshll.u32 v3, $0xF;
	v3 =	vshll.u32 v3, $0x7;
	[tilespmem:v4+s16+$0x0] =	vst.idx.msk $0xffff, v8;
	v4 =	vand.u32 $0xFF800000, v6  }
0x1f: {  	v6 =	vshra.s32 v7, $0x8;
	v7 =	vshra.s32 v3, $0x8;
	v3 =	vor.u32 s24, v1  }
0x20: {  	s23 =	simm.s32 $0x100;
	s22 =	simm.s32 $0x40  }
0x21: {  	s26 =	sand.u32 $0x100, s23;
	s25 =	sand.u32 $0x1E00, s22  }
0x22: {  	s25 =	sor.u32 s26, s25;
	s24 =	simm.s32 $0x2;
	[tilespmem:v5+s16+$0x0] =	vst.idx.msk $0xffff, v4;
	v5 =	vand.u32 $0xFF800000, v6;
	v4 =	vand.u32 $0xFF800000, v7  }
.LBB2_2:
0x23: {  	p0 =	sne.s32 s24, $0x7F;
	s24 =	sadd.s32 $0x1, s24;
	s25 =	sshrl.u32 s25, $0x2;
	[tilespmem:v2+s16+$0x0] =	vst.idx.msk $0xffff, v5  }
0x24: {  	[tilespmem:v3+s16+$0x0] =	vst.idx.msk $0xffff, v4  }
0x25: {  	v4 =	vld [tilespmem:s25+$0x0];
	_ =	sdelay $0x1  }
0x26: {  	v5 =	vor.u32 s22, v1;
	s25 =	sadd.s32 $0x1, s22  }
0x27: {  	v6 =	vor.u32 s25, v1;
	s25 =	sadd.s32 $0x2, s22;
	_ =	sdelay $0x1  }
.Ltmp0:
0x28: {  	v2 =	vor.u32 s25, v1;
	s25 =	sadd.s32 $0x3, s22;
	v3 =	vand.u32 $0x1, v4;
	v7 =	vshll.u32 v4, $0xF;
	(pc) =	sbr.rel @p0 .LBB2_2-.Ltmp0, $4  }
0x29: {  	v8 =	vshll.u32 v4, $0x17;
	vm0 =	veq.s32 v3, $0x1;
	v3 =	vor.u32 s25, v1  }
0x2a: {  	s23 =	sadd.s32 $0x100, s23;
	s22 =	sadd.s32 $0x40, s22;
	v4 =	vshll.u32 v4, $0x7;
	v8 =	vshra.s32 v8, $0x8;
	v9 =	vsel vm0, $0xFF800000, v0  }
0x2b: {  	s26 =	sand.u32 $0x100, s23;
	s25 =	sand.u32 $0x1E00, s22;
	v7 =	vshra.s32 v7, $0x8;
	v4 =	vshra.s32 v4, $0x8;
	[tilespmem:v5+s16+$0x0] =	vst.idx.msk $0xffff, v9;
	v5 =	vand.u32 $0xFF800000, v8  }
0x2c: {  	s25 =	sor.u32 s26, s25;
	v4 =	vand.u32 $0xFF800000, v4;
	[tilespmem:v6+s16+$0x0] =	vst.idx.msk $0xffff, v5;
	v5 =	vand.u32 $0xFF800000, v7  }
0x2d: {  	_ =	sdelay $0x3  }
0x2e: {  	[tilespmem:v2+s16+$0x0] =	vst.idx.msk $0xffff, v5  }
0x2f: {  	s23 =	sshrl.u32 s25, $0x2;
	[tilespmem:v3+s16+$0x0] =	vst.idx.msk $0xffff, v4  }
0x30: {  	v2 =	vld [tilespmem:s23+$0x0];
	_ =	sdelay $0x2  }
0x31: {  	s31 =	sadd.s32 $0x1, s22;
	v3 =	vor.u32 s22, v1  }
0x32: {  	s24 =	sadd.s32 $0x2, s22;
	v4 =	vor.u32 s31, v1  }
0x33: {  	s25 =	sadd.s32 $0x3, s22;
	v6 =	vor.u32 s24, v1;
	v5 =	vand.u32 $0x1, v2  }
0x34: {  	v7 =	vor.u32 s25, v1;
	vm0 =	veq.s32 v5, $0x1;
	v5 =	vshll.u32 v2, $0x17  }
0x35: {  	v8 =	vshll.u32 v2, $0xF;
	v9 =	vsel vm0, $0xFF800000, v0;
	v5 =	vshra.s32 v5, $0x8  }
0x36: {  	v2 =	vshll.u32 v2, $0x7;
	[tilespmem:v3+s16+$0x0] =	vst.idx.msk $0xffff, v9;
	v3 =	vand.u32 $0xFF800000, v5;
	v5 =	vshra.s32 v8, $0x8  }
0x37: {  	v2 =	vshra.s32 v2, $0x8;
	[tilespmem:v4+s16+$0x0] =	vst.idx.msk $0xffff, v3;
	v3 =	vand.u32 $0xFF800000, v5  }
0x38: {  	v2 =	vand.u32 $0xFF800000, v2;
	[tilespmem:v6+s16+$0x0] =	vst.idx.msk $0xffff, v3  }
0x39: {  	s26 =	simm.s32 $0x2000;
	s22 =	simm.s32 $0x0;
	[tilespmem:v7+s16+$0x0] =	vst.idx.msk $0xffff, v2  }
0x3a: {  	[hbm4b:s6+s17] =	stream.strided.scatter [tilespmem:s26], [sflag:$0x2], $0x2000, s18, s17, $0x38;
	[tilespmem:$0xA000] =	vst v63  }
0x3b: {  	s24 =	sand.u32 $0x3E00, s26;
	s28 =	sand.u32 $0x100, s22;
	_ =	swait.ge [sflag:s15], $0x800  }
0x3c: {  	s24 =	sor.u32 s28, s24;
	[sflag:s15] =	ssyncset.done $0x0  }
0x3d: {  	s24 =	sshrl.u32 s24, $0x2;
	[sflag:s15] =	ssyncadd.s32 $0xFFFFF800  }
0x3e: {  	v3 =	vld [tilespmem:s24+$0x0];
	_ =	sdelay $0x2  }
0x3f: {  	v4 =	vor.u32 s26, v1;
	_ =	sdelay $0x1  }
0x40: {  	s29 =	simm.s32 $0x2001;
	v6 =	vand.u32 $0x1, v3  }
0x41: {  	s30 =	simm.s32 $0x2002;
	v5 =	vor.u32 s29, v1;
	vm15 =	veq.s32 v6, $0x1;
	v6 =	vshll.u32 v3, $0x17  }
0x42: {  	v2 =	vor.u32 s30, v1;
	v63 =	vsel vm15, $0xFF800000, v0;
	v6 =	vshra.s32 v6, $0x8  }
0x43: {  	s31 =	simm.s32 $0x2003;
	v7 =	vshll.u32 v3, $0xF;
	v3 =	vshll.u32 v3, $0x7;
	[tilespmem:v4+s16+$0x0] =	vst.idx.msk $0xffff, v63;
	v4 =	vand.u32 $0xFF800000, v6  }
0x44: {  	s23 =	simm.s32 $0x2040;
	s24 =	simm.s32 $0x100;
	v6 =	vshra.s32 v7, $0x8;
	v7 =	vshra.s32 v3, $0x8;
	v3 =	vor.u32 s31, v1  }
0x45: {  	s26 =	sand.u32 $0x3E00, s23;
	s28 =	sand.u32 $0x100, s24  }
0x46: {  	s25 =	simm.s32 $0x2080;
	s26 =	sor.u32 s28, s26;
	[tilespmem:v5+s16+$0x0] =	vst.idx.msk $0xffff, v4;
	v5 =	vand.u32 $0xFF800000, v6;
	v4 =	vand.u32 $0xFF800000, v7  }
.LBB2_4:
0x47: {  	s26 =	sshrl.u32 s26, $0x2  }
0x48: {  	[tilespmem:v2+s16+$0x0] =	vst.idx.msk $0xffff, v5;
	s22 =	sadd.s32 $0x1, s22;
	s28 =	smov.u32 s25;
	s29 =	sadd.s32 $0x40, s25  }
0x49: {  	p0 =	sne.s32 s25, $0x3FC0;
	[tilespmem:v3+s16+$0x0] =	vst.idx.msk $0xffff, v4  }
0x4a: {  	v4 =	vld [tilespmem:s26+$0x0];
	_ =	sdelay $0x1  }
0x4b: {  	v5 =	vor.u32 s23, v1;
	s25 =	sadd.s32 $0x1, s23  }
0x4c: {  	v6 =	vor.u32 s25, v1;
	s25 =	sadd.s32 $0x2, s23;
	_ =	sdelay $0x1  }
.Ltmp1:
0x4d: {  	v2 =	vor.u32 s25, v1;
	s25 =	sadd.s32 $0x3, s23;
	s23 =	smov.u32 s28;
	v3 =	vand.u32 $0x1, v4;
	v7 =	vshll.u32 v4, $0xF;
	(pc) =	sbr.rel @p0 .LBB2_4-.Ltmp1, $4  }
0x4e: {  	v8 =	vshll.u32 v4, $0x17;
	vm0 =	veq.s32 v3, $0x1;
	v3 =	vor.u32 s25, v1  }
0x4f: {  	s24 =	sadd.s32 $0x100, s24;
	v4 =	vshll.u32 v4, $0x7;
	v8 =	vshra.s32 v8, $0x8;
	v9 =	vsel vm0, $0xFF800000, v0  }
0x50: {  	s26 =	sand.u32 $0x100, s24;
	s25 =	sand.u32 $0x3E00, s23;
	v7 =	vshra.s32 v7, $0x8;
	v4 =	vshra.s32 v4, $0x8;
	[tilespmem:v5+s16+$0x0] =	vst.idx.msk $0xffff, v9;
	v5 =	vand.u32 $0xFF800000, v8  }
0x51: {  	s26 =	sor.u32 s26, s25;
	v4 =	vand.u32 $0xFF800000, v4;
	s25 =	smov.u32 s29;
	[tilespmem:v6+s16+$0x0] =	vst.idx.msk $0xffff, v5;
	v5 =	vand.u32 $0xFF800000, v7  }
0x52: {  	_ =	sdelay $0x3  }
0x53: {  	[tilespmem:v2+s16+$0x0] =	vst.idx.msk $0xffff, v5  }
0x54: {  	s22 =	sshrl.u32 s26, $0x2;
	[tilespmem:v3+s16+$0x0] =	vst.idx.msk $0xffff, v4  }
0x55: {  	v2 =	vld [tilespmem:s22+$0x0];
	_ =	sdelay $0x2  }
0x56: {  	s31 =	sadd.s32 $0x1, s23;
	v3 =	vor.u32 s23, v1  }
0x57: {  	s24 =	sadd.s32 $0x2, s23;
	v4 =	vor.u32 s31, v1  }
0x58: {  	s25 =	sadd.s32 $0x3, s23;
	v6 =	vor.u32 s24, v1;
	v5 =	vand.u32 $0x1, v2  }
0x59: {  	v7 =	vor.u32 s25, v1;
	vm0 =	veq.s32 v5, $0x1;
	v5 =	vshll.u32 v2, $0x17  }
0x5a: {  	v8 =	vshll.u32 v2, $0xF;
	v9 =	vsel vm0, $0xFF800000, v0;
	v5 =	vshra.s32 v5, $0x8  }
0x5b: {  	v2 =	vshll.u32 v2, $0x7;
	[tilespmem:v3+s16+$0x0] =	vst.idx.msk $0xffff, v9;
	v3 =	vand.u32 $0xFF800000, v5;
	v5 =	vshra.s32 v8, $0x8  }
0x5c: {  	v2 =	vshra.s32 v2, $0x8;
	[tilespmem:v4+s16+$0x0] =	vst.idx.msk $0xffff, v3;
	v3 =	vand.u32 $0xFF800000, v5  }
0x5d: {  	v2 =	vand.u32 $0xFF800000, v2;
	[tilespmem:v6+s16+$0x0] =	vst.idx.msk $0xffff, v3  }
0x5e: {  	s26 =	simm.s32 $0x4000;
	s22 =	simm.s32 $0x0;
	[tilespmem:v7+s16+$0x0] =	vst.idx.msk $0xffff, v2  }
0x5f: {  	[hbm4b:s8+s17] =	stream.strided.scatter [tilespmem:s26], [sflag:$0x2], $0x2000, s18, s17, $0x38;
	[tilespmem:$0xA000] =	vst v63  }
0x60: {  	s24 =	sand.u32 $0x5E00, s26;
	s25 =	sand.u32 $0x100, s22;
	_ =	swait.ge [sflag:s15], $0x800  }
0x61: {  	s24 =	sor.u32 s25, s24;
	[sflag:s15] =	ssyncset.done $0x0  }
0x62: {  	s24 =	sshrl.u32 s24, $0x2;
	[sflag:s15] =	ssyncadd.s32 $0xFFFFF800  }
0x63: {  	v3 =	vld [tilespmem:s24+$0x0];
	_ =	sdelay $0x2  }
0x64: {  	v4 =	vor.u32 s26, v1;
	_ =	sdelay $0x1  }
0x65: {  	s28 =	simm.s32 $0x4001;
	v6 =	vand.u32 $0x1, v3  }
0x66: {  	s29 =	simm.s32 $0x4002;
	v5 =	vor.u32 s28, v1;
	vm15 =	veq.s32 v6, $0x1;
	v6 =	vshll.u32 v3, $0x17  }
0x67: {  	v2 =	vor.u32 s29, v1;
	v63 =	vsel vm15, $0xFF800000, v0;
	v6 =	vshra.s32 v6, $0x8  }
0x68: {  	s30 =	simm.s32 $0x4003;
	v7 =	vshll.u32 v3, $0xF;
	v3 =	vshll.u32 v3, $0x7;
	[tilespmem:v4+s16+$0x0] =	vst.idx.msk $0xffff, v63;
	v4 =	vand.u32 $0xFF800000, v6  }
0x69: {  	s23 =	simm.s32 $0x4040;
	s24 =	simm.s32 $0x100;
	v6 =	vshra.s32 v7, $0x8;
	v7 =	vshra.s32 v3, $0x8;
	v3 =	vor.u32 s30, v1  }
0x6a: {  	s31 =	sand.u32 $0x5E00, s23;
	s28 =	sand.u32 $0x100, s24  }
0x6b: {  	s25 =	simm.s32 $0x4080;
	s26 =	sor.u32 s28, s31;
	[tilespmem:v5+s16+$0x0] =	vst.idx.msk $0xffff, v4;
	v5 =	vand.u32 $0xFF800000, v6;
	v4 =	vand.u32 $0xFF800000, v7  }
.LBB2_6:
0x6c: {  	s26 =	sshrl.u32 s26, $0x2  }
0x6d: {  	[tilespmem:v2+s16+$0x0] =	vst.idx.msk $0xffff, v5;
	s22 =	sadd.s32 $0x1, s22;
	s28 =	smov.u32 s25;
	s29 =	sadd.s32 $0x40, s25  }
0x6e: {  	p0 =	sne.s32 s25, $0x5FC0;
	[tilespmem:v3+s16+$0x0] =	vst.idx.msk $0xffff, v4  }
0x6f: {  	v4 =	vld [tilespmem:s26+$0x0];
	_ =	sdelay $0x1  }
0x70: {  	v5 =	vor.u32 s23, v1;
	s25 =	sadd.s32 $0x1, s23  }
0x71: {  	v6 =	vor.u32 s25, v1;
	s25 =	sadd.s32 $0x2, s23;
	_ =	sdelay $0x1  }
.Ltmp2:
0x72: {  	v2 =	vor.u32 s25, v1;
	s25 =	sadd.s32 $0x3, s23;
	s23 =	smov.u32 s28;
	v3 =	vand.u32 $0x1, v4;
	v7 =	vshll.u32 v4, $0xF;
	(pc) =	sbr.rel @p0 .LBB2_6-.Ltmp2, $4  }
0x73: {  	v8 =	vshll.u32 v4, $0x17;
	vm0 =	veq.s32 v3, $0x1;
	v3 =	vor.u32 s25, v1  }
0x74: {  	s24 =	sadd.s32 $0x100, s24;
	v4 =	vshll.u32 v4, $0x7;
	v8 =	vshra.s32 v8, $0x8;
	v9 =	vsel vm0, $0xFF800000, v0  }
0x75: {  	s26 =	sand.u32 $0x100, s24;
	s25 =	sand.u32 $0x5E00, s23;
	v7 =	vshra.s32 v7, $0x8;
	v4 =	vshra.s32 v4, $0x8;
	[tilespmem:v5+s16+$0x0] =	vst.idx.msk $0xffff, v9;
	v5 =	vand.u32 $0xFF800000, v8  }
0x76: {  	s26 =	sor.u32 s26, s25;
	v4 =	vand.u32 $0xFF800000, v4;
	s25 =	smov.u32 s29;
	[tilespmem:v6+s16+$0x0] =	vst.idx.msk $0xffff, v5;
	v5 =	vand.u32 $0xFF800000, v7  }
0x77: {  	_ =	sdelay $0x3  }
0x78: {  	[tilespmem:v2+s16+$0x0] =	vst.idx.msk $0xffff, v5  }
0x79: {  	s22 =	sshrl.u32 s26, $0x2;
	[tilespmem:v3+s16+$0x0] =	vst.idx.msk $0xffff, v4  }
0x7a: {  	v2 =	vld [tilespmem:s22+$0x0];
	_ =	sdelay $0x2  }
0x7b: {  	s31 =	sadd.s32 $0x1, s23;
	v3 =	vor.u32 s23, v1  }
0x7c: {  	s24 =	sadd.s32 $0x2, s23;
	v4 =	vor.u32 s31, v1  }
0x7d: {  	s25 =	sadd.s32 $0x3, s23;
	v6 =	vor.u32 s24, v1;
	v5 =	vand.u32 $0x1, v2  }
0x7e: {  	v7 =	vor.u32 s25, v1;
	vm0 =	veq.s32 v5, $0x1;
	v5 =	vshll.u32 v2, $0x17  }
0x7f: {  	v8 =	vshll.u32 v2, $0xF;
	v9 =	vsel vm0, $0xFF800000, v0;
	v5 =	vshra.s32 v5, $0x8  }
0x80: {  	v2 =	vshll.u32 v2, $0x7;
	[tilespmem:v3+s16+$0x0] =	vst.idx.msk $0xffff, v9;
	v3 =	vand.u32 $0xFF800000, v5;
	v5 =	vshra.s32 v8, $0x8  }
0x81: {  	v2 =	vshra.s32 v2, $0x8;
	[tilespmem:v4+s16+$0x0] =	vst.idx.msk $0xffff, v3;
	v3 =	vand.u32 $0xFF800000, v5  }
0x82: {  	v2 =	vand.u32 $0xFF800000, v2;
	[tilespmem:v6+s16+$0x0] =	vst.idx.msk $0xffff, v3  }
0x83: {  	s26 =	simm.s32 $0x6000;
	s22 =	simm.s32 $0x0;
	[tilespmem:v7+s16+$0x0] =	vst.idx.msk $0xffff, v2  }
0x84: {  	[hbm4b:s9+s17] =	stream.strided.scatter [tilespmem:s26], [sflag:$0x2], $0x2000, s18, s17, $0x38;
	[tilespmem:$0xA000] =	vst v63  }
0x85: {  	s24 =	sand.u32 $0x7E00, s26;
	s25 =	sand.u32 $0x100, s22;
	_ =	swait.ge [sflag:s15], $0x800  }
0x86: {  	s24 =	sor.u32 s25, s24;
	[sflag:s15] =	ssyncset.done $0x0  }
0x87: {  	s24 =	sshrl.u32 s24, $0x2;
	[sflag:s15] =	ssyncadd.s32 $0xFFFFF800  }
0x88: {  	v3 =	vld [tilespmem:s24+$0x0];
	_ =	sdelay $0x2  }
0x89: {  	v4 =	vor.u32 s26, v1;
	_ =	sdelay $0x1  }
0x8a: {  	s28 =	simm.s32 $0x6001;
	v6 =	vand.u32 $0x1, v3  }
0x8b: {  	s29 =	simm.s32 $0x6002;
	v5 =	vor.u32 s28, v1;
	vm15 =	veq.s32 v6, $0x1;
	v6 =	vshll.u32 v3, $0x17  }
0x8c: {  	v2 =	vor.u32 s29, v1;
	v63 =	vsel vm15, $0xFF800000, v0;
	v6 =	vshra.s32 v6, $0x8  }
0x8d: {  	s30 =	simm.s32 $0x6003;
	v7 =	vshll.u32 v3, $0xF;
	v3 =	vshll.u32 v3, $0x7;
	[tilespmem:v4+s16+$0x0] =	vst.idx.msk $0xffff, v63;
	v4 =	vand.u32 $0xFF800000, v6  }
0x8e: {  	s23 =	simm.s32 $0x6040;
	s24 =	simm.s32 $0x100;
	v6 =	vshra.s32 v7, $0x8;
	v7 =	vshra.s32 v3, $0x8;
	v3 =	vor.u32 s30, v1  }
0x8f: {  	s31 =	sand.u32 $0x7E00, s23;
	s28 =	sand.u32 $0x100, s24  }
0x90: {  	s25 =	simm.s32 $0x6080;
	s26 =	sor.u32 s28, s31;
	[tilespmem:v5+s16+$0x0] =	vst.idx.msk $0xffff, v4;
	v5 =	vand.u32 $0xFF800000, v6;
	v4 =	vand.u32 $0xFF800000, v7  }
.LBB2_8:
0x91: {  	s26 =	sshrl.u32 s26, $0x2  }
0x92: {  	[tilespmem:v2+s16+$0x0] =	vst.idx.msk $0xffff, v5;
	s22 =	sadd.s32 $0x1, s22;
	s28 =	smov.u32 s25;
	s29 =	sadd.s32 $0x40, s25  }
0x93: {  	p0 =	sne.s32 s25, $0x7FC0;
	[tilespmem:v3+s16+$0x0] =	vst.idx.msk $0xffff, v4  }
0x94: {  	v4 =	vld [tilespmem:s26+$0x0];
	_ =	sdelay $0x1  }
0x95: {  	v5 =	vor.u32 s23, v1;
	s25 =	sadd.s32 $0x1, s23  }
0x96: {  	v6 =	vor.u32 s25, v1;
	s25 =	sadd.s32 $0x2, s23;
	_ =	sdelay $0x1  }
.Ltmp3:
0x97: {  	v2 =	vor.u32 s25, v1;
	s25 =	sadd.s32 $0x3, s23;
	s23 =	smov.u32 s28;
	v3 =	vand.u32 $0x1, v4;
	v7 =	vshll.u32 v4, $0xF;
	(pc) =	sbr.rel @p0 .LBB2_8-.Ltmp3, $4  }
0x98: {  	v8 =	vshll.u32 v4, $0x17;
	vm0 =	veq.s32 v3, $0x1;
	v3 =	vor.u32 s25, v1  }
0x99: {  	s24 =	sadd.s32 $0x100, s24;
	v4 =	vshll.u32 v4, $0x7;
	v8 =	vshra.s32 v8, $0x8;
	v9 =	vsel vm0, $0xFF800000, v0  }
0x9a: {  	s26 =	sand.u32 $0x100, s24;
	s25 =	sand.u32 $0x7E00, s23;
	v7 =	vshra.s32 v7, $0x8;
	v4 =	vshra.s32 v4, $0x8;
	[tilespmem:v5+s16+$0x0] =	vst.idx.msk $0xffff, v9;
	v5 =	vand.u32 $0xFF800000, v8  }
0x9b: {  	s26 =	sor.u32 s26, s25;
	v4 =	vand.u32 $0xFF800000, v4;
	s25 =	smov.u32 s29;
	[tilespmem:v6+s16+$0x0] =	vst.idx.msk $0xffff, v5;
	v5 =	vand.u32 $0xFF800000, v7  }
0x9c: {  	_ =	sdelay $0x3  }
0x9d: {  	[tilespmem:v2+s16+$0x0] =	vst.idx.msk $0xffff, v5  }
0x9e: {  	s22 =	sshrl.u32 s26, $0x2;
	[tilespmem:v3+s16+$0x0] =	vst.idx.msk $0xffff, v4  }
0x9f: {  	v2 =	vld [tilespmem:s22+$0x0];
	_ =	sdelay $0x2  }
0xa0: {  	s29 =	sadd.s32 $0x1, s23;
	v3 =	vor.u32 s23, v1  }
0xa1: {  	s30 =	sadd.s32 $0x2, s23;
	v60 =	vor.u32 s29, v1  }
0xa2: {  	s31 =	sadd.s32 $0x3, s23;
	v6 =	vor.u32 s30, v1;
	v61 =	vand.u32 $0x1, v2  }
0xa3: {  	v7 =	vor.u32 s31, v1;
	v62 =	vshll.u32 v2, $0x17;
	vm0 =	veq.s32 v61, $0x1  }
0xa4: {  	v8 =	vshll.u32 v2, $0xF;
	v5 =	vshra.s32 v62, $0x8;
	v9 =	vsel vm0, $0xFF800000, v0  }
0xa5: {  	v2 =	vshll.u32 v2, $0x7;
	v63 =	vshra.s32 v8, $0x8;
	[tilespmem:v3+s16+$0x0] =	vst.idx.msk $0xffff, v9;
	v3 =	vand.u32 $0xFF800000, v5  }
0xa6: {  	v2 =	vshra.s32 v2, $0x8;
	[tilespmem:v60+s16+$0x0] =	vst.idx.msk $0xffff, v3;
	v3 =	vand.u32 $0xFF800000, v63  }
0xa7: {  	v2 =	vand.u32 $0xFF800000, v2;
	[tilespmem:v6+s16+$0x0] =	vst.idx.msk $0xffff, v3  }
0xa8: {  	[tilespmem:v7+s16+$0x0] =	vst.idx.msk $0xffff, v2  }
0xa9: {  	[hbm4b:s10+s17] =	stream.strided.scatter [tilespmem:s19], [sflag:$0x2], $0x2000, s18, s17, $0x38;
	[tilespmem:$0xA000] =	vst v63  }
0xaa: {  	_ =	swait.ge [sflag:s20], $0x2000  }
0xab: {  	[sflag:s20] =	ssyncset.done $0x0  }
0xac: {  	[sflag:s20] =	ssyncadd.s32 $0xFFFFE000  }
0xad: {  	_ =	swait.ge [sflag:s20], $0x2000  }
0xae: {  	[sflag:s20] =	ssyncset.done $0x0  }
0xaf: {  	s21 =	sadd.s32 $0x1, s21;
	[sflag:s20] =	ssyncadd.s32 $0xFFFFE000  }
0xb0: {  	p0 =	sne.s32 s21, s11;
	_ =	swait.ge [sflag:s20], $0x2000  }
.Ltmp4:
0xb1: {  	[sflag:s20] =	ssyncset.done $0x0;
	(pc) =	sbr.rel @p0 .LBB2_1-.Ltmp4, $4  }
0xb2: {  	[sflag:s20] =	ssyncadd.s32 $0xFFFFE000  }
0xb3: {  	_ =	swait.ge [sflag:s20], $0x2000  }
0xb4: {  	[sflag:s20] =	ssyncset.done $0x0  }
0xb5: {  	[sflag:s20] =	ssyncadd.s32 $0xFFFFE000  }
0xb6: {  	_ =	sfence.sel $0x180000  }
0xb7: {  	[bflag:$0x0] =	sbarrier.arrive $0xFFFF  }
0xb8: {  	p0 =	sne.s32 s1, $0x0;
	_ =	strace $0x90000047  }
0xb9: {  	s0 =	sadd.s32 @!p0 $0x100000, s0;
	[bflag:$0x2] =	sbarrier.arrive $0xFFFF  }
0xba: {  	[sflag:s0] =	ssyncadd.tile.s32 @!p0 $0x1;
	_ =	shalt  }
.Lfunc_end2:
_tile_overlayer_lowered:
.L_overlay_start_2:
0xbb: {  	(tag) =	ssettag $0x2  }
0xbc: {  	s0 =	rddreg [dreg:$0x0];
	s2 =	stileid.u32  }
0xbd: {  	s1 =	rddreg [dreg:$0x1];
	p0 =	sne.s32 s2, $0x0  }
0xbe: {  	s3 =	rddreg [dreg:$0x2];
	[bflag:$0x3] =	sbarrier.arrive $0xFFFF;
	s2 =	simm.s32 @!p0 $0x1C03  }
0xbf: {  	[timem:s3], [sflag:s2] =	dma.local @!p0 [hbm:s0], s1  }
0xc0: {  	s0 =	simm.s32 @!p0 $0x3  }
0xc1: {  	_ =	swait.ge @!p0 [sflag:s0], s1  }
0xc2: {  	s1 =	ssub.s32 @!p0 $0x0, s1;
	[sflag:s0] =	ssyncset.done @!p0 $0x0  }
0xc3: {  	[sflag:s0] =	ssyncadd.s32 @!p0 s1  }
0xc4: {  	[bflag:$0x3] =	sbarrier.arrive $0xFFFF  }
0xc5: {  	_ =	shalt  }

</sc_bundles>
